<compile_context>
chip_gen: v7x
topology: tpu7x:2x2x1
jax: 0.10.2.dev20260603
libtpu: 0.0.44.dev20260713+nightly
codegen_flags: <defaults>
</compile_context>

<pallas_src>
import functools

import jax
import jax.numpy as jnp
from jax import lax
from jax.experimental import pallas as pl
from jax.experimental.pallas import tpu as pltpu
from jax.experimental.pallas import tpu_sc as plsc

_NUM_ANCHORS = 3
_NOOBJ_SCALE = 50.0
_GRID = 6

_LOG1P_COEFS = (
    5.62195900721818e-07,
    0.9999574870750696,
    -0.4992065685478763,
    0.32697310001391783,
    -0.2228362583278401,
    0.13076503250360005,
    -0.05262485136716543,
    0.010119082927575069,
)


def _softplus_vec(x):
    m = jnp.maximum(x, 0.0)
    u = jnp.exp(-jnp.abs(x))
    p = jnp.full_like(x, _LOG1P_COEFS[-1])
    for c in reversed(_LOG1P_COEFS[:-1]):
        p = p * u + jnp.float32(c)
    return m + p


def _round_up(x, m):
    return -(-x // m) * m


def _extract_body(blk, x_ref, out_ref):
    x = x_ref[...]
    t0 = jnp.transpose(x[:, 0:128])
    t1 = jnp.transpose(x[:, 128:192])
    for a, v in enumerate((t0[4, :], t0[89, :], t1[46, :])):
        out_ref[pl.ds(a * blk, blk)] = v


def _make_extract(rows, C):
    blk = rows // _GRID
    assert blk * _GRID == rows
    oblk = _round_up(_NUM_ANCHORS * blk, 1024)
    call = pl.pallas_call(
        functools.partial(_extract_body, blk),
        grid=(_GRID,),
        in_specs=[pl.BlockSpec((blk, C), lambda i: (i, 0))],
        out_specs=pl.BlockSpec((oblk,), lambda i: (i,)),
        out_shape=jax.ShapeDtypeStruct((_GRID * oblk,), jnp.float32),
    )
    return call, blk, oblk


def _make_sc_reduce(B, blk, oblk):
    info = plsc.get_sparse_core_info()
    NC, NS, L = info.num_cores, info.num_subcores, info.num_lanes
    NW = NC * NS
    SPLIT = 4
    CHUNK = blk // SPLIT
    assert CHUNK * SPLIT == blk and CHUNK % L == 0 and CHUNK % 8 == 0
    NCHUNKS = _GRID * _NUM_ANCHORS * SPLIT
    MAXK = -(-NCHUNKS // NW)
    VECS = CHUNK // L
    scale = jnp.float32(_NOOBJ_SCALE / B)

    mesh = plsc.VectorSubcoreMesh(core_axis_name="c", subcore_axis_name="s")

    @functools.partial(
        pl.kernel,
        mesh=mesh,
        out_type=jax.ShapeDtypeStruct((NW * L,), jnp.float32),
        scratch_types=[
            pltpu.VMEM((CHUNK,), jnp.float32),
            pltpu.VMEM((L,), jnp.float32),
        ],
    )
    def sc_fn(obj_hbm, out_hbm, buf_v, acc_v):
        wid = lax.axis_index("s") * NC + lax.axis_index("c")
        acc_v[...] = jnp.zeros((L,), jnp.float32)
        for k in range(MAXK):
            p = wid + k * NW

            @pl.when(p < NCHUNKS)
            def _do_chunk():
                g = p // (_NUM_ANCHORS * SPLIT)
                r = p - g * (_NUM_ANCHORS * SPLIT)
                a = r // SPLIT
                off = g * oblk + a * blk + (r - a * SPLIT) * CHUNK
                pltpu.sync_copy(obj_hbm.at[pl.ds(off, CHUNK)], buf_v)

                def body(i, acc):
                    x = buf_v[pl.ds(i * L, L)]
                    return acc + _softplus_vec(x)

                acc = lax.fori_loop(0, VECS, body, jnp.zeros((L,), jnp.float32))
                acc_v[...] = acc_v[...] + acc

        acc_v[...] = acc_v[...] * scale
        pltpu.sync_copy(acc_v, out_hbm.at[pl.ds(wid * L, L)])

    return sc_fn


def kernel(predictions, targets):
    S, B, C, G, _ = predictions.shape
    pt = jnp.transpose(predictions, (0, 3, 4, 1, 2))
    rows = S * G * G * B
    ptr = pt.reshape(rows, C)
    extract, blk, oblk = _make_extract(rows, C)
    obj = extract(ptr)
    partials = _make_sc_reduce(B, blk, oblk)(obj)
    return jnp.sum(partials)

# --- scband reference (transcript-rebuilt; emitter-appended) ---
"""Pipeline reference for scband-yololoss-67577015435969 (READ-ONLY COPY).

The authoritative reference and input builder live on the scoring server;
editing this copy changes nothing except your own understanding.
"""

import jax, jax.numpy as jnp
import numpy as np


def setup_inputs(seed: int = 0) -> dict:
    key = jax.random.key(seed)
    k1 = jax.random.fold_in(key, 1)
    predictions = jax.random.normal(k1, (3, 8, 255, 52, 52), dtype=jnp.float32)
    # empty targets per batch element -> only the no-object BCE branch is exercised
    targets = jnp.zeros((8, 0, 5), dtype=jnp.float32)
    return {"predictions": predictions, "targets": targets}


def reference(predictions, targets):
    # Faithful translation of YOLOLoss.forward for the case targets[b].size(0) == 0
    # for every b: the per-target loops are skipped and the loss reduces to
    #   total = sum_scales sum_b noobj_scale * BCEWithLogits_sum(pred_obj[b], 0)
    # BCEWithLogitsLoss(x, 0) elementwise == softplus(x) == log(1 + exp(x)).
    num_anchors = 3
    num_classes = 80
    noobj_scale = 50.0
    S, B, C, G, _ = predictions.shape
    total_loss = jnp.float32(0.0)
    for s in range(S):
        pred = predictions[s].reshape(B, num_anchors, 5 + num_classes, G, G)
        pred = jnp.transpose(pred, (0, 1, 3, 4, 2))  # [B, A, G, G, 5+C]
        pred_obj = pred[..., 4]  # [B, A, G, G] logits
        # sum over batch of sum-reduced BCE-with-logits against zeros
        noobj_loss = jnp.sum(jax.nn.softplus(pred_obj))
        total_loss = total_loss + noobj_scale * noobj_loss
    return total_loss / B

if __name__ == "__main__":
    import jax
    _d = setup_inputs()
    print(jax.jit(kernel)(*tuple(_d.values())))

</pallas_src>

<mosaic_0001>
#map = affine_map<(d0, d1) -> (0)>
module attributes {stable_mosaic.version = 14 : i64} {
  func.func @_rewritten_body(%arg0: i32, %arg1: i32, %arg2: memref<196608xf32, #tpu.memory_space<hbm>>, %arg3: memref<1xf32, #tpu.memory_space<hbm>>, %arg4: memref<512xf32, #tpu.memory_space<hbm>>, %arg5: memref<2704xf32, #tpu.memory_space<vmem>>, %arg6: memref<16xf32, #tpu.memory_space<vmem>>) attributes {dimension_semantics = [#tpu.dimension_semantics<core_parallel>, #tpu.dimension_semantics<subcore_parallel>], iteration_bounds = array<i64: 2, 16>, scalar_prefetch = 0 : i64, scratch_operands = 2 : i64, tpu.core_type = #tpu.core_type<sc_vector_subcore>, window_params = [{transform_indices = #map}, {transform_indices = #map}, {transform_indices = #map}]} {
    %empty_ref3A = memref.alloca() : memref<16xf32, #tpu.memory_space<vmem>>
    "tpu.region"() ({
      %run_scoped3A = tpu.sem_alloc : memref<!tpu.dma_semaphore, #tpu.memory_space<semaphore_mem>>
      %dma_start3A = arith.constant 0 : i32
      %dma_start3A_36 = tpu.memref_slice %empty_ref3A[%dma_start3A] : memref<16xf32, #tpu.memory_space<vmem>> -> memref<1xf32, #tpu.memory_space<vmem>>
      %dma_start3A_37 = arith.constant 0 : i32
      %dma_start3A_38 = tpu.memref_slice %empty_ref3A[%dma_start3A_37] : memref<16xf32, #tpu.memory_space<vmem>> -> memref<1xf32, #tpu.memory_space<vmem>>
      tpu.enqueue_dma source(%arg3 : memref<1xf32, #tpu.memory_space<hbm>>) target(%dma_start3A_38 : memref<1xf32, #tpu.memory_space<vmem>>) target_semaphore(%run_scoped3A : memref<!tpu.dma_semaphore, #tpu.memory_space<semaphore_mem>>)
      %dma_wait3A = arith.constant 0 : i32
      %dma_wait3A_39 = tpu.memref_slice %empty_ref3A[%dma_wait3A] : memref<16xf32, #tpu.memory_space<vmem>> -> memref<1xf32, #tpu.memory_space<vmem>>
      %dma_wait3A_40 = arith.constant 0 : i32
      %dma_wait3A_41 = tpu.memref_slice %empty_ref3A[%dma_wait3A_40] : memref<16xf32, #tpu.memory_space<vmem>> -> memref<1xf32, #tpu.memory_space<vmem>>
      tpu.wait_dma2 semaphore(%run_scoped3A : memref<!tpu.dma_semaphore, #tpu.memory_space<semaphore_mem>>) src(%arg3 : memref<1xf32, #tpu.memory_space<hbm>>) dst(%dma_wait3A_41 : memref<1xf32, #tpu.memory_space<vmem>>)
      tpu.yield
    }) : () -> ()
    %get3A = arith.constant 0 : index
    %get3A_0 = tpu.vector_load %empty_ref3A[%get3A] {strides = array<i32>} : memref<16xf32, #tpu.memory_space<vmem>>, vector<16xf32>,
    %get3A_1 = vector.shape_cast %get3A_0 : vector<16xf32> to vector<16xf32>
    %slice3A = vector.extract_strided_slice %get3A_1 {offsets = [0], sizes = [1], strides = [1]} : vector<16xf32> to vector<1xf32>
    %squeeze3A = vector.extract %slice3A[0] : f32 from vector<1xf32>
    %mul3A = arith.constant 2 : i32
    %mul3A_2 = arith.muli %arg1, %mul3A : i32
    %add3A = arith.addi %mul3A_2, %arg0 : i32
    %broadcast_in_dim3A = arith.constant 0.000000e+00 : f32
    %broadcast_in_dim3A_3 = vector.broadcast %broadcast_in_dim3A : f32 to vector<16xf32>
    %swap3A = arith.constant 0 : index
    %swap3A_4 = tpu.vector_load %arg6[%swap3A] {strides = array<i32>} : memref<16xf32, #tpu.memory_space<vmem>>, vector<16xf32>,
    %swap3A_5 = vector.shape_cast %swap3A_4 : vector<16xf32> to vector<16xf32>
    %swap3A_6 = vector.shape_cast %broadcast_in_dim3A_3 : vector<16xf32> to vector<16xf32>
    tpu.vector_store %arg6[%swap3A], %swap3A_6 {strides = array<i32>} : memref<16xf32, #tpu.memory_space<vmem>>, vector<16xf32>,
    %add3A_7 = arith.constant 0 : i32
    %add3A_8 = arith.addi %add3A, %add3A_7 : i32
    %lt3A = arith.constant 72 : i32
    %lt3A_9 = arith.cmpi slt, %add3A_8, %lt3A : i32
    %convert_element_type3A = arith.extui %lt3A_9 : i1 to i32
    %cond3A = arith.constant 0 : i32
    %cond3A_10 = arith.cmpi ne, %convert_element_type3A, %cond3A : i32
    scf.if %cond3A_10 {
      %jit3A = arith.constant 12 : i32
      %div3A = arith.divsi %add3A_8, %jit3A : i32
      %sign3A = arith.constant 0 : i32
      %sign3A_36 = arith.cmpi sgt, %add3A_8, %sign3A : i32
      %sign3A_37 = arith.extui %sign3A_36 : i1 to i32
      %sign3A_38 = arith.constant 0 : i32
      %sign3A_39 = arith.cmpi slt, %add3A_8, %sign3A_38 : i32
      %sign3A_40 = arith.extui %sign3A_39 : i1 to i32
      %sign3A_41 = arith.subi %sign3A_37, %sign3A_40 : i32
      %sign3A_42 = arith.constant 0 : i32
      %sign3A_43 = arith.cmpi sgt, %jit3A, %sign3A_42 : i32
      %sign3A_44 = arith.extui %sign3A_43 : i1 to i32
      %sign3A_45 = arith.constant 0 : i32
      %sign3A_46 = arith.cmpi slt, %jit3A, %sign3A_45 : i32
      %sign3A_47 = arith.extui %sign3A_46 : i1 to i32
      %sign3A_48 = arith.subi %sign3A_44, %sign3A_47 : i32
      %ne3A = arith.cmpi ne, %sign3A_41, %sign3A_48 : i32
      %rem3A = arith.remsi %add3A_8, %jit3A : i32
      %ne3A_49 = arith.constant 0 : i32
      %ne3A_50 = arith.cmpi ne, %rem3A, %ne3A_49 : i32
      %and3A = arith.andi %ne3A, %ne3A_50 : i1
      %sub3A = arith.constant 1 : i32
      %sub3A_51 = arith.subi %div3A, %sub3A : i32
      %select_n3A = arith.select %and3A, %sub3A_51, %div3A : i32
      %mul3A_52 = arith.constant 12 : i32
      %mul3A_53 = arith.muli %select_n3A, %mul3A_52 : i32
      %sub3A_54 = arith.subi %add3A_8, %mul3A_53 : i32
      %jit3A_55 = arith.constant 4 : i32
      %div3A_56 = arith.divsi %sub3A_54, %jit3A_55 : i32
      %sign3A_57 = arith.constant 0 : i32
      %sign3A_58 = arith.cmpi sgt, %sub3A_54, %sign3A_57 : i32
      %sign3A_59 = arith.extui %sign3A_58 : i1 to i32
      %sign3A_60 = arith.constant 0 : i32
      %sign3A_61 = arith.cmpi slt, %sub3A_54, %sign3A_60 : i32
      %sign3A_62 = arith.extui %sign3A_61 : i1 to i32
      %sign3A_63 = arith.subi %sign3A_59, %sign3A_62 : i32
      %sign3A_64 = arith.constant 0 : i32
      %sign3A_65 = arith.cmpi sgt, %jit3A_55, %sign3A_64 : i32
      %sign3A_66 = arith.extui %sign3A_65 : i1 to i32
      %sign3A_67 = arith.constant 0 : i32
      %sign3A_68 = arith.cmpi slt, %jit3A_55, %sign3A_67 : i32
      %sign3A_69 = arith.extui %sign3A_68 : i1 to i32
      %sign3A_70 = arith.subi %sign3A_66, %sign3A_69 : i32
      %ne3A_71 = arith.cmpi ne, %sign3A_63, %sign3A_70 : i32
      %rem3A_72 = arith.remsi %sub3A_54, %jit3A_55 : i32
      %ne3A_73 = arith.constant 0 : i32
      %ne3A_74 = arith.cmpi ne, %rem3A_72, %ne3A_73 : i32
      %and3A_75 = arith.andi %ne3A_71, %ne3A_74 : i1
      %sub3A_76 = arith.constant 1 : i32
      %sub3A_77 = arith.subi %div3A_56, %sub3A_76 : i32
      %select_n3A_78 = arith.select %and3A_75, %sub3A_77, %div3A_56 : i32
      %mul3A_79 = arith.constant 32768 : i32
      %mul3A_80 = arith.muli %select_n3A, %mul3A_79 : i32
      %mul3A_81 = arith.constant 10816 : i32
      %mul3A_82 = arith.muli %select_n3A_78, %mul3A_81 : i32
      %add3A_83 = arith.addi %mul3A_80, %mul3A_82 : i32
      %mul3A_84 = arith.constant 4 : i32
      %mul3A_85 = arith.muli %select_n3A_78, %mul3A_84 : i32
      %sub3A_86 = arith.subi %sub3A_54, %mul3A_85 : i32
      %mul3A_87 = arith.constant 2704 : i32
      %mul3A_88 = arith.muli %sub3A_86, %mul3A_87 : i32
      %add3A_89 = arith.addi %add3A_83, %mul3A_88 : i32
      "tpu.region"() ({
        %run_scoped3A = tpu.sem_alloc : memref<!tpu.dma_semaphore, #tpu.memory_space<semaphore_mem>>
        %dma_start3A = tpu.memref_slice %arg2[%add3A_89] : memref<196608xf32, #tpu.memory_space<hbm>> -> memref<2704xf32, #tpu.memory_space<hbm>>
        %dma_start3A_105 = tpu.memref_slice %arg2[%add3A_89] : memref<196608xf32, #tpu.memory_space<hbm>> -> memref<2704xf32, #tpu.memory_space<hbm>>
        tpu.enqueue_dma source(%dma_start3A_105 : memref<2704xf32, #tpu.memory_space<hbm>>) target(%arg5 : memref<2704xf32, #tpu.memory_space<vmem>>) target_semaphore(%run_scoped3A : memref<!tpu.dma_semaphore, #tpu.memory_space<semaphore_mem>>)
        %dma_wait3A = tpu.memref_slice %arg2[%add3A_89] : memref<196608xf32, #tpu.memory_space<hbm>> -> memref<2704xf32, #tpu.memory_space<hbm>>
        %dma_wait3A_106 = tpu.memref_slice %arg2[%add3A_89] : memref<196608xf32, #tpu.memory_space<hbm>> -> memref<2704xf32, #tpu.memory_space<hbm>>
        tpu.wait_dma2 semaphore(%run_scoped3A : memref<!tpu.dma_semaphore, #tpu.memory_space<semaphore_mem>>) src(%dma_wait3A_106 : memref<2704xf32, #tpu.memory_space<hbm>>) dst(%arg5 : memref<2704xf32, #tpu.memory_space<vmem>>)
        tpu.yield
      }) : () -> ()
      %broadcast_in_dim3A_90 = arith.constant 0.000000e+00 : f32
      %broadcast_in_dim3A_91 = vector.broadcast %broadcast_in_dim3A_90 : f32 to vector<16xf32>
      %scan3A = arith.constant 0 : i32
      %scan3A_92 = arith.constant 169 : i32
      %scan3A_93 = arith.addi %scan3A, %scan3A_92 : i32
      %scan3A_94 = arith.constant 1 : i32
      %scan3A_95 = scf.for %scan3A_105 = %scan3A to %scan3A_93 step %scan3A_94 iter_args(%scan3A_106 = %broadcast_in_dim3A_91) -> (vector<16xf32>)  : i32 {
        %mul3A_107 = arith.constant 16 : i32
        %mul3A_108 = arith.muli %scan3A_105, %mul3A_107 : i32
        %get3A_109 = arith.index_cast %mul3A_108 : i32 to index
        %get3A_110 = tpu.vector_load %arg5[%get3A_109] {strides = array<i32>} : memref<2704xf32, #tpu.memory_space<vmem>>, vector<16xf32>,
        %get3A_111 = vector.shape_cast %get3A_110 : vector<16xf32> to vector<16xf32>
        %max3A = arith.constant 0.000000e+00 : f32
        %max3A_112 = vector.broadcast %max3A : f32 to vector<16xf32>
        %max3A_113 = arith.maximumf %get3A_111, %max3A_112 : vector<16xf32>
        %abs3A = math.absf %get3A_111 : vector<16xf32>
        %neg3A = arith.constant 0.000000e+00 : f32
        %neg3A_114 = vector.broadcast %neg3A : f32 to vector<16xf32>
        %neg3A_115 = arith.subf %neg3A_114, %abs3A : vector<16xf32>
        %exp3A = math.exp %neg3A_115 : vector<16xf32>
        %broadcast_in_dim3A_116 = arith.constant 0.0101190833 : f32
        %broadcast_in_dim3A_117 = vector.broadcast %broadcast_in_dim3A_116 : f32 to vector<16xf32>
        %mul3A_118 = arith.mulf %broadcast_in_dim3A_117, %exp3A : vector<16xf32>
        %add3A_119 = arith.constant -0.0526248515 : f32
        %add3A_120 = vector.broadcast %add3A_119 : f32 to vector<16xf32>
        %add3A_121 = arith.addf %mul3A_118, %add3A_120 : vector<16xf32>
        %mul3A_122 = arith.mulf %add3A_121, %exp3A : vector<16xf32>
        %add3A_123 = arith.constant 0.130765036 : f32
        %add3A_124 = vector.broadcast %add3A_123 : f32 to vector<16xf32>
        %add3A_125 = arith.addf %mul3A_122, %add3A_124 : vector<16xf32>
        %mul3A_126 = arith.mulf %add3A_125, %exp3A : vector<16xf32>
        %add3A_127 = arith.constant -0.222836256 : f32
        %add3A_128 = vector.broadcast %add3A_127 : f32 to vector<16xf32>
        %add3A_129 = arith.addf %mul3A_126, %add3A_128 : vector<16xf32>
        %mul3A_130 = arith.mulf %add3A_129, %exp3A : vector<16xf32>
        %add3A_131 = arith.constant 0.32697311 : f32
        %add3A_132 = vector.broadcast %add3A_131 : f32 to vector<16xf32>
        %add3A_133 = arith.addf %mul3A_130, %add3A_132 : vector<16xf32>
        %mul3A_134 = arith.mulf %add3A_133, %exp3A : vector<16xf32>
        %add3A_135 = arith.constant -0.499206573 : f32
        %add3A_136 = vector.broadcast %add3A_135 : f32 to vector<16xf32>
        %add3A_137 = arith.addf %mul3A_134, %add3A_136 : vector<16xf32>
        %mul3A_138 = arith.mulf %add3A_137, %exp3A : vector<16xf32>
        %add3A_139 = arith.constant 0.999957501 : f32
        %add3A_140 = vector.broadcast %add3A_139 : f32 to vector<16xf32>
        %add3A_141 = arith.addf %mul3A_138, %add3A_140 : vector<16xf32>
        %mul3A_142 = arith.mulf %add3A_141, %exp3A : vector<16xf32>
        %add3A_143 = arith.constant 5.62195908E-7 : f32
        %add3A_144 = vector.broadcast %add3A_143 : f32 to vector<16xf32>
        %add3A_145 = arith.addf %mul3A_142, %add3A_144 : vector<16xf32>
        %add3A_146 = arith.addf %max3A_113, %add3A_145 : vector<16xf32>
        %add3A_147 = arith.addf %scan3A_106, %add3A_146 : vector<16xf32>
        scf.yield %add3A_147 : vector<16xf32>
      }
      %scan3A_96 = arith.constant 169 : i32
      %get3A_97 = arith.constant 0 : index
      %get3A_98 = tpu.vector_load %arg6[%get3A_97] {strides = array<i32>} : memref<16xf32, #tpu.memory_space<vmem>>, vector<16xf32>,
      %get3A_99 = vector.shape_cast %get3A_98 : vector<16xf32> to vector<16xf32>
      %add3A_100 = arith.addf %get3A_99, %scan3A_95 : vector<16xf32>
      %swap3A_101 = arith.constant 0 : index
      %swap3A_102 = tpu.vector_load %arg6[%swap3A_101] {strides = array<i32>} : memref<16xf32, #tpu.memory_space<vmem>>, vector<16xf32>,
      %swap3A_103 = vector.shape_cast %swap3A_102 : vector<16xf32> to vector<16xf32>
      %swap3A_104 = vector.shape_cast %add3A_100 : vector<16xf32> to vector<16xf32>
      tpu.vector_store %arg6[%swap3A_101], %swap3A_104 {strides = array<i32>} : memref<16xf32, #tpu.memory_space<vmem>>, vector<16xf32>,
    } else {
    }
    %add3A_11 = arith.constant 32 : i32
    %add3A_12 = arith.addi %add3A, %add3A_11 : i32
    %lt3A_13 = arith.constant 72 : i32
    %lt3A_14 = arith.cmpi slt, %add3A_12, %lt3A_13 : i32
    %convert_element_type3A_15 = arith.extui %lt3A_14 : i1 to i32
    %cond3A_16 = arith.constant 0 : i32
    %cond3A_17 = arith.cmpi ne, %convert_element_type3A_15, %cond3A_16 : i32
    scf.if %cond3A_17 {
      %jit3A = arith.constant 12 : i32
      %div3A = arith.divsi %add3A_12, %jit3A : i32
      %sign3A = arith.constant 0 : i32
      %sign3A_36 = arith.cmpi sgt, %add3A_12, %sign3A : i32
      %sign3A_37 = arith.extui %sign3A_36 : i1 to i32
      %sign3A_38 = arith.constant 0 : i32
      %sign3A_39 = arith.cmpi slt, %add3A_12, %sign3A_38 : i32
      %sign3A_40 = arith.extui %sign3A_39 : i1 to i32
      %sign3A_41 = arith.subi %sign3A_37, %sign3A_40 : i32
      %sign3A_42 = arith.constant 0 : i32
      %sign3A_43 = arith.cmpi sgt, %jit3A, %sign3A_42 : i32
      %sign3A_44 = arith.extui %sign3A_43 : i1 to i32
      %sign3A_45 = arith.constant 0 : i32
      %sign3A_46 = arith.cmpi slt, %jit3A, %sign3A_45 : i32
      %sign3A_47 = arith.extui %sign3A_46 : i1 to i32
      %sign3A_48 = arith.subi %sign3A_44, %sign3A_47 : i32
      %ne3A = arith.cmpi ne, %sign3A_41, %sign3A_48 : i32
      %rem3A = arith.remsi %add3A_12, %jit3A : i32
      %ne3A_49 = arith.constant 0 : i32
      %ne3A_50 = arith.cmpi ne, %rem3A, %ne3A_49 : i32
      %and3A = arith.andi %ne3A, %ne3A_50 : i1
      %sub3A = arith.constant 1 : i32
      %sub3A_51 = arith.subi %div3A, %sub3A : i32
      %select_n3A = arith.select %and3A, %sub3A_51, %div3A : i32
      %mul3A_52 = arith.constant 12 : i32
      %mul3A_53 = arith.muli %select_n3A, %mul3A_52 : i32
      %sub3A_54 = arith.subi %add3A_12, %mul3A_53 : i32
      %jit3A_55 = arith.constant 4 : i32
      %div3A_56 = arith.divsi %sub3A_54, %jit3A_55 : i32
      %sign3A_57 = arith.constant 0 : i32
      %sign3A_58 = arith.cmpi sgt, %sub3A_54, %sign3A_57 : i32
      %sign3A_59 = arith.extui %sign3A_58 : i1 to i32
      %sign3A_60 = arith.constant 0 : i32
      %sign3A_61 = arith.cmpi slt, %sub3A_54, %sign3A_60 : i32
      %sign3A_62 = arith.extui %sign3A_61 : i1 to i32
      %sign3A_63 = arith.subi %sign3A_59, %sign3A_62 : i32
      %sign3A_64 = arith.constant 0 : i32
      %sign3A_65 = arith.cmpi sgt, %jit3A_55, %sign3A_64 : i32
      %sign3A_66 = arith.extui %sign3A_65 : i1 to i32
      %sign3A_67 = arith.constant 0 : i32
      %sign3A_68 = arith.cmpi slt, %jit3A_55, %sign3A_67 : i32
      %sign3A_69 = arith.extui %sign3A_68 : i1 to i32
      %sign3A_70 = arith.subi %sign3A_66, %sign3A_69 : i32
      %ne3A_71 = arith.cmpi ne, %sign3A_63, %sign3A_70 : i32
      %rem3A_72 = arith.remsi %sub3A_54, %jit3A_55 : i32
      %ne3A_73 = arith.constant 0 : i32
      %ne3A_74 = arith.cmpi ne, %rem3A_72, %ne3A_73 : i32
      %and3A_75 = arith.andi %ne3A_71, %ne3A_74 : i1
      %sub3A_76 = arith.constant 1 : i32
      %sub3A_77 = arith.subi %div3A_56, %sub3A_76 : i32
      %select_n3A_78 = arith.select %and3A_75, %sub3A_77, %div3A_56 : i32
      %mul3A_79 = arith.constant 32768 : i32
      %mul3A_80 = arith.muli %select_n3A, %mul3A_79 : i32
      %mul3A_81 = arith.constant 10816 : i32
      %mul3A_82 = arith.muli %select_n3A_78, %mul3A_81 : i32
      %add3A_83 = arith.addi %mul3A_80, %mul3A_82 : i32
      %mul3A_84 = arith.constant 4 : i32
      %mul3A_85 = arith.muli %select_n3A_78, %mul3A_84 : i32
      %sub3A_86 = arith.subi %sub3A_54, %mul3A_85 : i32
      %mul3A_87 = arith.constant 2704 : i32
      %mul3A_88 = arith.muli %sub3A_86, %mul3A_87 : i32
      %add3A_89 = arith.addi %add3A_83, %mul3A_88 : i32
      "tpu.region"() ({
        %run_scoped3A = tpu.sem_alloc : memref<!tpu.dma_semaphore, #tpu.memory_space<semaphore_mem>>
        %dma_start3A = tpu.memref_slice %arg2[%add3A_89] : memref<196608xf32, #tpu.memory_space<hbm>> -> memref<2704xf32, #tpu.memory_space<hbm>>
        %dma_start3A_105 = tpu.memref_slice %arg2[%add3A_89] : memref<196608xf32, #tpu.memory_space<hbm>> -> memref<2704xf32, #tpu.memory_space<hbm>>
        tpu.enqueue_dma source(%dma_start3A_105 : memref<2704xf32, #tpu.memory_space<hbm>>) target(%arg5 : memref<2704xf32, #tpu.memory_space<vmem>>) target_semaphore(%run_scoped3A : memref<!tpu.dma_semaphore, #tpu.memory_space<semaphore_mem>>)
        %dma_wait3A = tpu.memref_slice %arg2[%add3A_89] : memref<196608xf32, #tpu.memory_space<hbm>> -> memref<2704xf32, #tpu.memory_space<hbm>>
        %dma_wait3A_106 = tpu.memref_slice %arg2[%add3A_89] : memref<196608xf32, #tpu.memory_space<hbm>> -> memref<2704xf32, #tpu.memory_space<hbm>>
        tpu.wait_dma2 semaphore(%run_scoped3A : memref<!tpu.dma_semaphore, #tpu.memory_space<semaphore_mem>>) src(%dma_wait3A_106 : memref<2704xf32, #tpu.memory_space<hbm>>) dst(%arg5 : memref<2704xf32, #tpu.memory_space<vmem>>)
        tpu.yield
      }) : () -> ()
      %broadcast_in_dim3A_90 = arith.constant 0.000000e+00 : f32
      %broadcast_in_dim3A_91 = vector.broadcast %broadcast_in_dim3A_90 : f32 to vector<16xf32>
      %scan3A = arith.constant 0 : i32
      %scan3A_92 = arith.constant 169 : i32
      %scan3A_93 = arith.addi %scan3A, %scan3A_92 : i32
      %scan3A_94 = arith.constant 1 : i32
      %scan3A_95 = scf.for %scan3A_105 = %scan3A to %scan3A_93 step %scan3A_94 iter_args(%scan3A_106 = %broadcast_in_dim3A_91) -> (vector<16xf32>)  : i32 {
        %mul3A_107 = arith.constant 16 : i32
        %mul3A_108 = arith.muli %scan3A_105, %mul3A_107 : i32
        %get3A_109 = arith.index_cast %mul3A_108 : i32 to index
        %get3A_110 = tpu.vector_load %arg5[%get3A_109] {strides = array<i32>} : memref<2704xf32, #tpu.memory_space<vmem>>, vector<16xf32>,
        %get3A_111 = vector.shape_cast %get3A_110 : vector<16xf32> to vector<16xf32>
        %max3A = arith.constant 0.000000e+00 : f32
        %max3A_112 = vector.broadcast %max3A : f32 to vector<16xf32>
        %max3A_113 = arith.maximumf %get3A_111, %max3A_112 : vector<16xf32>
        %abs3A = math.absf %get3A_111 : vector<16xf32>
        %neg3A = arith.constant 0.000000e+00 : f32
        %neg3A_114 = vector.broadcast %neg3A : f32 to vector<16xf32>
        %neg3A_115 = arith.subf %neg3A_114, %abs3A : vector<16xf32>
        %exp3A = math.exp %neg3A_115 : vector<16xf32>
        %broadcast_in_dim3A_116 = arith.constant 0.0101190833 : f32
        %broadcast_in_dim3A_117 = vector.broadcast %broadcast_in_dim3A_116 : f32 to vector<16xf32>
        %mul3A_118 = arith.mulf %broadcast_in_dim3A_117, %exp3A : vector<16xf32>
        %add3A_119 = arith.constant -0.0526248515 : f32
        %add3A_120 = vector.broadcast %add3A_119 : f32 to vector<16xf32>
        %add3A_121 = arith.addf %mul3A_118, %add3A_120 : vector<16xf32>
        %mul3A_122 = arith.mulf %add3A_121, %exp3A : vector<16xf32>
        %add3A_123 = arith.constant 0.130765036 : f32
        %add3A_124 = vector.broadcast %add3A_123 : f32 to vector<16xf32>
        %add3A_125 = arith.addf %mul3A_122, %add3A_124 : vector<16xf32>
        %mul3A_126 = arith.mulf %add3A_125, %exp3A : vector<16xf32>
        %add3A_127 = arith.constant -0.222836256 : f32
        %add3A_128 = vector.broadcast %add3A_127 : f32 to vector<16xf32>
        %add3A_129 = arith.addf %mul3A_126, %add3A_128 : vector<16xf32>
        %mul3A_130 = arith.mulf %add3A_129, %exp3A : vector<16xf32>
        %add3A_131 = arith.constant 0.32697311 : f32
        %add3A_132 = vector.broadcast %add3A_131 : f32 to vector<16xf32>
        %add3A_133 = arith.addf %mul3A_130, %add3A_132 : vector<16xf32>
        %mul3A_134 = arith.mulf %add3A_133, %exp3A : vector<16xf32>
        %add3A_135 = arith.constant -0.499206573 : f32
        %add3A_136 = vector.broadcast %add3A_135 : f32 to vector<16xf32>
        %add3A_137 = arith.addf %mul3A_134, %add3A_136 : vector<16xf32>
        %mul3A_138 = arith.mulf %add3A_137, %exp3A : vector<16xf32>
        %add3A_139 = arith.constant 0.999957501 : f32
        %add3A_140 = vector.broadcast %add3A_139 : f32 to vector<16xf32>
        %add3A_141 = arith.addf %mul3A_138, %add3A_140 : vector<16xf32>
        %mul3A_142 = arith.mulf %add3A_141, %exp3A : vector<16xf32>
        %add3A_143 = arith.constant 5.62195908E-7 : f32
        %add3A_144 = vector.broadcast %add3A_143 : f32 to vector<16xf32>
        %add3A_145 = arith.addf %mul3A_142, %add3A_144 : vector<16xf32>
        %add3A_146 = arith.addf %max3A_113, %add3A_145 : vector<16xf32>
        %add3A_147 = arith.addf %scan3A_106, %add3A_146 : vector<16xf32>
        scf.yield %add3A_147 : vector<16xf32>
      }
      %scan3A_96 = arith.constant 169 : i32
      %get3A_97 = arith.constant 0 : index
      %get3A_98 = tpu.vector_load %arg6[%get3A_97] {strides = array<i32>} : memref<16xf32, #tpu.memory_space<vmem>>, vector<16xf32>,
      %get3A_99 = vector.shape_cast %get3A_98 : vector<16xf32> to vector<16xf32>
      %add3A_100 = arith.addf %get3A_99, %scan3A_95 : vector<16xf32>
      %swap3A_101 = arith.constant 0 : index
      %swap3A_102 = tpu.vector_load %arg6[%swap3A_101] {strides = array<i32>} : memref<16xf32, #tpu.memory_space<vmem>>, vector<16xf32>,
      %swap3A_103 = vector.shape_cast %swap3A_102 : vector<16xf32> to vector<16xf32>
      %swap3A_104 = vector.shape_cast %add3A_100 : vector<16xf32> to vector<16xf32>
      tpu.vector_store %arg6[%swap3A_101], %swap3A_104 {strides = array<i32>} : memref<16xf32, #tpu.memory_space<vmem>>, vector<16xf32>,
    } else {
    }
    %add3A_18 = arith.constant 64 : i32
    %add3A_19 = arith.addi %add3A, %add3A_18 : i32
    %lt3A_20 = arith.constant 72 : i32
    %lt3A_21 = arith.cmpi slt, %add3A_19, %lt3A_20 : i32
    %convert_element_type3A_22 = arith.extui %lt3A_21 : i1 to i32
    %cond3A_23 = arith.constant 0 : i32
    %cond3A_24 = arith.cmpi ne, %convert_element_type3A_22, %cond3A_23 : i32
    scf.if %cond3A_24 {
      %jit3A = arith.constant 12 : i32
      %div3A = arith.divsi %add3A_19, %jit3A : i32
      %sign3A = arith.constant 0 : i32
      %sign3A_36 = arith.cmpi sgt, %add3A_19, %sign3A : i32
      %sign3A_37 = arith.extui %sign3A_36 : i1 to i32
      %sign3A_38 = arith.constant 0 : i32
      %sign3A_39 = arith.cmpi slt, %add3A_19, %sign3A_38 : i32
      %sign3A_40 = arith.extui %sign3A_39 : i1 to i32
      %sign3A_41 = arith.subi %sign3A_37, %sign3A_40 : i32
      %sign3A_42 = arith.constant 0 : i32
      %sign3A_43 = arith.cmpi sgt, %jit3A, %sign3A_42 : i32
      %sign3A_44 = arith.extui %sign3A_43 : i1 to i32
      %sign3A_45 = arith.constant 0 : i32
      %sign3A_46 = arith.cmpi slt, %jit3A, %sign3A_45 : i32
      %sign3A_47 = arith.extui %sign3A_46 : i1 to i32
      %sign3A_48 = arith.subi %sign3A_44, %sign3A_47 : i32
      %ne3A = arith.cmpi ne, %sign3A_41, %sign3A_48 : i32
      %rem3A = arith.remsi %add3A_19, %jit3A : i32
      %ne3A_49 = arith.constant 0 : i32
      %ne3A_50 = arith.cmpi ne, %rem3A, %ne3A_49 : i32
      %and3A = arith.andi %ne3A, %ne3A_50 : i1
      %sub3A = arith.constant 1 : i32
      %sub3A_51 = arith.subi %div3A, %sub3A : i32
      %select_n3A = arith.select %and3A, %sub3A_51, %div3A : i32
      %mul3A_52 = arith.constant 12 : i32
      %mul3A_53 = arith.muli %select_n3A, %mul3A_52 : i32
      %sub3A_54 = arith.subi %add3A_19, %mul3A_53 : i32
      %jit3A_55 = arith.constant 4 : i32
      %div3A_56 = arith.divsi %sub3A_54, %jit3A_55 : i32
      %sign3A_57 = arith.constant 0 : i32
      %sign3A_58 = arith.cmpi sgt, %sub3A_54, %sign3A_57 : i32
      %sign3A_59 = arith.extui %sign3A_58 : i1 to i32
      %sign3A_60 = arith.constant 0 : i32
      %sign3A_61 = arith.cmpi slt, %sub3A_54, %sign3A_60 : i32
      %sign3A_62 = arith.extui %sign3A_61 : i1 to i32
      %sign3A_63 = arith.subi %sign3A_59, %sign3A_62 : i32
      %sign3A_64 = arith.constant 0 : i32
      %sign3A_65 = arith.cmpi sgt, %jit3A_55, %sign3A_64 : i32
      %sign3A_66 = arith.extui %sign3A_65 : i1 to i32
      %sign3A_67 = arith.constant 0 : i32
      %sign3A_68 = arith.cmpi slt, %jit3A_55, %sign3A_67 : i32
      %sign3A_69 = arith.extui %sign3A_68 : i1 to i32
      %sign3A_70 = arith.subi %sign3A_66, %sign3A_69 : i32
      %ne3A_71 = arith.cmpi ne, %sign3A_63, %sign3A_70 : i32
      %rem3A_72 = arith.remsi %sub3A_54, %jit3A_55 : i32
      %ne3A_73 = arith.constant 0 : i32
      %ne3A_74 = arith.cmpi ne, %rem3A_72, %ne3A_73 : i32
      %and3A_75 = arith.andi %ne3A_71, %ne3A_74 : i1
      %sub3A_76 = arith.constant 1 : i32
      %sub3A_77 = arith.subi %div3A_56, %sub3A_76 : i32
      %select_n3A_78 = arith.select %and3A_75, %sub3A_77, %div3A_56 : i32
      %mul3A_79 = arith.constant 32768 : i32
      %mul3A_80 = arith.muli %select_n3A, %mul3A_79 : i32
      %mul3A_81 = arith.constant 10816 : i32
      %mul3A_82 = arith.muli %select_n3A_78, %mul3A_81 : i32
      %add3A_83 = arith.addi %mul3A_80, %mul3A_82 : i32
      %mul3A_84 = arith.constant 4 : i32
      %mul3A_85 = arith.muli %select_n3A_78, %mul3A_84 : i32
      %sub3A_86 = arith.subi %sub3A_54, %mul3A_85 : i32
      %mul3A_87 = arith.constant 2704 : i32
      %mul3A_88 = arith.muli %sub3A_86, %mul3A_87 : i32
      %add3A_89 = arith.addi %add3A_83, %mul3A_88 : i32
      "tpu.region"() ({
        %run_scoped3A = tpu.sem_alloc : memref<!tpu.dma_semaphore, #tpu.memory_space<semaphore_mem>>
        %dma_start3A = tpu.memref_slice %arg2[%add3A_89] : memref<196608xf32, #tpu.memory_space<hbm>> -> memref<2704xf32, #tpu.memory_space<hbm>>
        %dma_start3A_105 = tpu.memref_slice %arg2[%add3A_89] : memref<196608xf32, #tpu.memory_space<hbm>> -> memref<2704xf32, #tpu.memory_space<hbm>>
        tpu.enqueue_dma source(%dma_start3A_105 : memref<2704xf32, #tpu.memory_space<hbm>>) target(%arg5 : memref<2704xf32, #tpu.memory_space<vmem>>) target_semaphore(%run_scoped3A : memref<!tpu.dma_semaphore, #tpu.memory_space<semaphore_mem>>)
        %dma_wait3A = tpu.memref_slice %arg2[%add3A_89] : memref<196608xf32, #tpu.memory_space<hbm>> -> memref<2704xf32, #tpu.memory_space<hbm>>
        %dma_wait3A_106 = tpu.memref_slice %arg2[%add3A_89] : memref<196608xf32, #tpu.memory_space<hbm>> -> memref<2704xf32, #tpu.memory_space<hbm>>
        tpu.wait_dma2 semaphore(%run_scoped3A : memref<!tpu.dma_semaphore, #tpu.memory_space<semaphore_mem>>) src(%dma_wait3A_106 : memref<2704xf32, #tpu.memory_space<hbm>>) dst(%arg5 : memref<2704xf32, #tpu.memory_space<vmem>>)
        tpu.yield
      }) : () -> ()
      %broadcast_in_dim3A_90 = arith.constant 0.000000e+00 : f32
      %broadcast_in_dim3A_91 = vector.broadcast %broadcast_in_dim3A_90 : f32 to vector<16xf32>
      %scan3A = arith.constant 0 : i32
      %scan3A_92 = arith.constant 169 : i32
      %scan3A_93 = arith.addi %scan3A, %scan3A_92 : i32
      %scan3A_94 = arith.constant 1 : i32
      %scan3A_95 = scf.for %scan3A_105 = %scan3A to %scan3A_93 step %scan3A_94 iter_args(%scan3A_106 = %broadcast_in_dim3A_91) -> (vector<16xf32>)  : i32 {
        %mul3A_107 = arith.constant 16 : i32
        %mul3A_108 = arith.muli %scan3A_105, %mul3A_107 : i32
        %get3A_109 = arith.index_cast %mul3A_108 : i32 to index
        %get3A_110 = tpu.vector_load %arg5[%get3A_109] {strides = array<i32>} : memref<2704xf32, #tpu.memory_space<vmem>>, vector<16xf32>,
        %get3A_111 = vector.shape_cast %get3A_110 : vector<16xf32> to vector<16xf32>
        %max3A = arith.constant 0.000000e+00 : f32
        %max3A_112 = vector.broadcast %max3A : f32 to vector<16xf32>
        %max3A_113 = arith.maximumf %get3A_111, %max3A_112 : vector<16xf32>
        %abs3A = math.absf %get3A_111 : vector<16xf32>
        %neg3A = arith.constant 0.000000e+00 : f32
        %neg3A_114 = vector.broadcast %neg3A : f32 to vector<16xf32>
        %neg3A_115 = arith.subf %neg3A_114, %abs3A : vector<16xf32>
        %exp3A = math.exp %neg3A_115 : vector<16xf32>
        %broadcast_in_dim3A_116 = arith.constant 0.0101190833 : f32
        %broadcast_in_dim3A_117 = vector.broadcast %broadcast_in_dim3A_116 : f32 to vector<16xf32>
        %mul3A_118 = arith.mulf %broadcast_in_dim3A_117, %exp3A : vector<16xf32>
        %add3A_119 = arith.constant -0.0526248515 : f32
        %add3A_120 = vector.broadcast %add3A_119 : f32 to vector<16xf32>
        %add3A_121 = arith.addf %mul3A_118, %add3A_120 : vector<16xf32>
        %mul3A_122 = arith.mulf %add3A_121, %exp3A : vector<16xf32>
        %add3A_123 = arith.constant 0.130765036 : f32
        %add3A_124 = vector.broadcast %add3A_123 : f32 to vector<16xf32>
        %add3A_125 = arith.addf %mul3A_122, %add3A_124 : vector<16xf32>
        %mul3A_126 = arith.mulf %add3A_125, %exp3A : vector<16xf32>
        %add3A_127 = arith.constant -0.222836256 : f32
        %add3A_128 = vector.broadcast %add3A_127 : f32 to vector<16xf32>
        %add3A_129 = arith.addf %mul3A_126, %add3A_128 : vector<16xf32>
        %mul3A_130 = arith.mulf %add3A_129, %exp3A : vector<16xf32>
        %add3A_131 = arith.constant 0.32697311 : f32
        %add3A_132 = vector.broadcast %add3A_131 : f32 to vector<16xf32>
        %add3A_133 = arith.addf %mul3A_130, %add3A_132 : vector<16xf32>
        %mul3A_134 = arith.mulf %add3A_133, %exp3A : vector<16xf32>
        %add3A_135 = arith.constant -0.499206573 : f32
        %add3A_136 = vector.broadcast %add3A_135 : f32 to vector<16xf32>
        %add3A_137 = arith.addf %mul3A_134, %add3A_136 : vector<16xf32>
        %mul3A_138 = arith.mulf %add3A_137, %exp3A : vector<16xf32>
        %add3A_139 = arith.constant 0.999957501 : f32
        %add3A_140 = vector.broadcast %add3A_139 : f32 to vector<16xf32>
        %add3A_141 = arith.addf %mul3A_138, %add3A_140 : vector<16xf32>
        %mul3A_142 = arith.mulf %add3A_141, %exp3A : vector<16xf32>
        %add3A_143 = arith.constant 5.62195908E-7 : f32
        %add3A_144 = vector.broadcast %add3A_143 : f32 to vector<16xf32>
        %add3A_145 = arith.addf %mul3A_142, %add3A_144 : vector<16xf32>
        %add3A_146 = arith.addf %max3A_113, %add3A_145 : vector<16xf32>
        %add3A_147 = arith.addf %scan3A_106, %add3A_146 : vector<16xf32>
        scf.yield %add3A_147 : vector<16xf32>
      }
      %scan3A_96 = arith.constant 169 : i32
      %get3A_97 = arith.constant 0 : index
      %get3A_98 = tpu.vector_load %arg6[%get3A_97] {strides = array<i32>} : memref<16xf32, #tpu.memory_space<vmem>>, vector<16xf32>,
      %get3A_99 = vector.shape_cast %get3A_98 : vector<16xf32> to vector<16xf32>
      %add3A_100 = arith.addf %get3A_99, %scan3A_95 : vector<16xf32>
      %swap3A_101 = arith.constant 0 : index
      %swap3A_102 = tpu.vector_load %arg6[%swap3A_101] {strides = array<i32>} : memref<16xf32, #tpu.memory_space<vmem>>, vector<16xf32>,
      %swap3A_103 = vector.shape_cast %swap3A_102 : vector<16xf32> to vector<16xf32>
      %swap3A_104 = vector.shape_cast %add3A_100 : vector<16xf32> to vector<16xf32>
      tpu.vector_store %arg6[%swap3A_101], %swap3A_104 {strides = array<i32>} : memref<16xf32, #tpu.memory_space<vmem>>, vector<16xf32>,
    } else {
    }
    %get3A_25 = arith.constant 0 : index
    %get3A_26 = tpu.vector_load %arg6[%get3A_25] {strides = array<i32>} : memref<16xf32, #tpu.memory_space<vmem>>, vector<16xf32>,
    %get3A_27 = vector.shape_cast %get3A_26 : vector<16xf32> to vector<16xf32>
    %mul3A_28 = vector.broadcast %squeeze3A : f32 to vector<16xf32>
    %mul3A_29 = arith.mulf %get3A_27, %mul3A_28 : vector<16xf32>
    %swap3A_30 = arith.constant 0 : index
    %swap3A_31 = tpu.vector_load %arg6[%swap3A_30] {strides = array<i32>} : memref<16xf32, #tpu.memory_space<vmem>>, vector<16xf32>,
    %swap3A_32 = vector.shape_cast %swap3A_31 : vector<16xf32> to vector<16xf32>
    %swap3A_33 = vector.shape_cast %mul3A_29 : vector<16xf32> to vector<16xf32>
    tpu.vector_store %arg6[%swap3A_30], %swap3A_33 {strides = array<i32>} : memref<16xf32, #tpu.memory_space<vmem>>, vector<16xf32>,
    %mul3A_34 = arith.constant 16 : i32
    %mul3A_35 = arith.muli %add3A, %mul3A_34 : i32
    "tpu.region"() ({
      %run_scoped3A = tpu.sem_alloc : memref<!tpu.dma_semaphore, #tpu.memory_space<semaphore_mem>>
      %dma_start3A = tpu.memref_slice %arg4[%mul3A_35] : memref<512xf32, #tpu.memory_space<hbm>> -> memref<16xf32, #tpu.memory_space<hbm>>
      %dma_start3A_36 = tpu.memref_slice %arg4[%mul3A_35] : memref<512xf32, #tpu.memory_space<hbm>> -> memref<16xf32, #tpu.memory_space<hbm>>
      tpu.enqueue_dma source(%arg6 : memref<16xf32, #tpu.memory_space<vmem>>) target(%dma_start3A_36 : memref<16xf32, #tpu.memory_space<hbm>>) target_semaphore(%run_scoped3A : memref<!tpu.dma_semaphore, #tpu.memory_space<semaphore_mem>>)
      %dma_wait3A = tpu.memref_slice %arg4[%mul3A_35] : memref<512xf32, #tpu.memory_space<hbm>> -> memref<16xf32, #tpu.memory_space<hbm>>
      %dma_wait3A_37 = tpu.memref_slice %arg4[%mul3A_35] : memref<512xf32, #tpu.memory_space<hbm>> -> memref<16xf32, #tpu.memory_space<hbm>>
      tpu.wait_dma2 semaphore(%run_scoped3A : memref<!tpu.dma_semaphore, #tpu.memory_space<semaphore_mem>>) src(%arg6 : memref<16xf32, #tpu.memory_space<vmem>>) dst(%dma_wait3A_37 : memref<16xf32, #tpu.memory_space<hbm>>)
      tpu.yield
    }) : () -> ()
    return
  }
}

module attributes {stable_mosaic.version = 14 : i64} {
  func.func @_extract_body(%arg0: i32, %arg1: memref<10816x255xf32, #tpu.memory_space<vmem>>, %arg2: memref<32768xf32, #tpu.memory_space<vmem>>) attributes {dimension_semantics = [#tpu.dimension_semantics<arbitrary>], iteration_bounds = array<i64: 6>, scalar_prefetch = 0 : i64, scratch_operands = 0 : i64, tpu.core_type = #tpu.core_type<tc>, window_params = [{transform_indices = @transform_0, window_bounds = array<i64: 10816, 255>}, {transform_indices = @transform_1, window_bounds = array<i64: 32768>}]} {
    %get3A = arith.constant 0 : index
    %get3A_0 = arith.constant 0 : index
    %get3A_1 = vector.load %arg1[%get3A, %get3A_0] : memref<10816x255xf32, #tpu.memory_space<vmem>>, vector<10816x255xf32>
    %slice3A = vector.extract_strided_slice %get3A_1 {offsets = [0, 0], sizes = [10816, 128], strides = [1, 1]} : vector<10816x255xf32> to vector<10816x128xf32>
    %transpose3A = tpu.transpose %slice3A, [1, 0] : vector<10816x128xf32> -> vector<128x10816xf32>
    %slice3A_2 = vector.extract_strided_slice %get3A_1 {offsets = [0, 128], sizes = [10816, 64], strides = [1, 1]} : vector<10816x255xf32> to vector<10816x64xf32>
    %transpose3A_3 = tpu.transpose %slice3A_2, [1, 0] : vector<10816x64xf32> -> vector<64x10816xf32>
    %slice3A_4 = vector.extract_strided_slice %transpose3A {offsets = [4, 0], sizes = [1, 10816], strides = [1, 1]} : vector<128x10816xf32> to vector<1x10816xf32>
    %squeeze3A = vector.shape_cast %slice3A_4 : vector<1x10816xf32> to vector<10816xf32>
    %slice3A_5 = vector.extract_strided_slice %transpose3A {offsets = [89, 0], sizes = [1, 10816], strides = [1, 1]} : vector<128x10816xf32> to vector<1x10816xf32>
    %squeeze3A_6 = vector.shape_cast %slice3A_5 : vector<1x10816xf32> to vector<10816xf32>
    %slice3A_7 = vector.extract_strided_slice %transpose3A_3 {offsets = [46, 0], sizes = [1, 10816], strides = [1, 1]} : vector<64x10816xf32> to vector<1x10816xf32>
    %squeeze3A_8 = vector.shape_cast %slice3A_7 : vector<1x10816xf32> to vector<10816xf32>
    %swap3A = arith.constant 0 : index
    %swap3A_9 = vector.load %arg2[%swap3A] : memref<32768xf32, #tpu.memory_space<vmem>>, vector<10816xf32>
    tpu.vector_store %arg2[%swap3A], %squeeze3A {strides = array<i32>} : memref<32768xf32, #tpu.memory_space<vmem>>, vector<10816xf32>,
    %swap3A_10 = arith.constant 10816 : index
    %swap3A_11 = vector.load %arg2[%swap3A_10] : memref<32768xf32, #tpu.memory_space<vmem>>, vector<10816xf32>
    tpu.vector_store %arg2[%swap3A_10], %squeeze3A_6 {strides = array<i32>} : memref<32768xf32, #tpu.memory_space<vmem>>, vector<10816xf32>,
    %swap3A_12 = arith.constant 21632 : index
    %swap3A_13 = vector.load %arg2[%swap3A_12] : memref<32768xf32, #tpu.memory_space<vmem>>, vector<10816xf32>
    tpu.vector_store %arg2[%swap3A_12], %squeeze3A_8 {strides = array<i32>} : memref<32768xf32, #tpu.memory_space<vmem>>, vector<10816xf32>,
    return
  }
  func.func @transform_0(%arg0: i32) -> (i32, i32) {
    %c0_i32 = arith.constant 0 : i32
    %c0_i32_0 = arith.constant 0 : i32
    return %arg0, %c0_i32 : i32, i32
  }
  func.func @transform_1(%arg0: i32) -> i32 {
    %c0_i32 = arith.constant 0 : i32
    return %arg0 : i32
  }
}

</mosaic_0001>

<sc_bundles>
// kernel: kernel.4.cloned.1.call-start
scs
__scs_entry_jumppad:
0x0: {  	(pc) =	sbr.rel $0x88, $3  }
0x1: {  	(tag) =	ssettag $0x0;
	lr =	simm.s32 $0x1  }
0x2: {  	[smem:$0x3FA0] =	sst lr;
	_ =	strace $0xD0000000  }
0x3: {  	_ = 	snop  }
0x4: {  	_ = 	snop  }
0x5: {  	_ = 	snop  }
0x6: {  	_ = 	snop  }
0x7: {  	_ = 	snop  }
__scs_overlays_trampoline_lowered:
0x8: {  	[smem:$0x3FAF] =	sst s0  }
0x9: {  	[smem:$0x3FB0] =	sst s1  }
0xa: {  	[smem:$0x3FB1] =	sst s2  }
0xb: {  	[smem:$0x3FB2] =	sst s3  }
0xc: {  	[smem:$0x3FB3] =	sst s4  }
0xd: {  	[smem:$0x3FB4] =	sst s5  }
0xe: {  	[smem:$0x3FB5] =	sst s6  }
0xf: {  	[smem:$0x3FB6] =	sst s7  }
0x10: {  	[smem:$0x3FB7] =	sst s8  }
0x11: {  	[smem:$0x3FB8] =	sst s9;
	s0 =	simm.s32 @!p0 $0x0  }
0x12: {  	s1 =	sld [smem:$0x3F9E];
	s0 =	simm.s32 @p0 $0x1  }
0x13: {  	[smem:$0x3FB9] =	sst s0;
	s0 =	simm.s32 @!p1 $0x0  }
0x14: {  	s2 =	sld [smem:$0x3F9D];
	s0 =	simm.s32 @p1 $0x1  }
0x15: {  	[smem:$0x3FBA] =	sst s0;
	s0 =	simm.s32 @!p2 $0x0  }
0x16: {  	s3 =	sld [smem:$0x3FDB];
	s0 =	simm.s32 @p2 $0x1  }
0x17: {  	s4 =	simm.s32 $0x1BF5;
	[smem:$0x3FBC] =	sst s0  }
0x18: {  	s0 =	sld [smem:$0x3F9F];
	_ =	swait.ge [sflag:s4], $0x0  }
0x19: {  	s7 =	sld [smem:$0x3FA0]  }
0x1a: {  	s8 =	sadd.s32 $0xFFFFE003, lr  }
0x1b: {  	s9 =	sadd.s32 $0xFFFFFEF7, lr;
	s5 =	simm.s32 $0xFFFFFFFF;
	p2 =	slt.u32 s8, $0xFFFFF086  }
0x1c: {  	p1 =	slt.u32 s9, $0xF7A;
	s5 =	simm.s32 @!p2 $0x0  }
0x1d: {  	s5 =	simm.s32 @p1 $0x1;
	p0 =	seq.s32 s7, s2  }
0x1e: {  	s7 =	smul.u32 @!p0 $0xF7A, s2;
	p2 =	seq.s32 @!p0 s5, $0x0  }
0x1f: {  	s9 =	smul.u32 $0xF7A, s1;
	s8 =	simm.s32 @!p0 $0x1BF5;
	p2 =	por !p2, p0  }
0x20: {  	[sflag:s8] =	ssyncset.s32 @!p0 $0xFFFFF086;
	s6 =	sadd.s32 @!p0 s3, s7;
	s7 =	simm.s32 @!p0 $0x108  }
0x21: {  	s3 =	sadd.s32 s3, s9;
	s6 =	sadd.s32 @!p0 $0x88, s6;
	s7 =	simm.s32 @p2 $0x1082  }
0x22: {  	[simem:s7], [sflag:s8] =	dma.local @!p0 [hbm:s6], $0xF7A  }
0x23: {  	s9 =	sor.u32 $0xD0000000, s2;
	s6 =	simm.s32 $0x108;
	_ =	swait.ge @!p0 [sflag:s8], $0x0  }
0x24: {  	s3 =	sadd.s32 $0x88, s3;
	s6 =	simm.s32 @!p1 $0x1082;
	[sflag:s4] =	ssyncset.s32 $0xFFFFF086  }
0x25: {  	[simem:s6], [sflag:s4] =	dma.local [hbm:s3], $0xF7A  }
0x26: {  	[smem:$0x3FA0] =	sst s1;
	(tag) =	ssettag s2;
	_ =	strace s9  }
0x27: {  	s1 =	sld [smem:$0x3FB0]  }
0x28: {  	s2 =	sld [smem:$0x3FB1]  }
0x29: {  	s4 =	sld [smem:$0x3FB3]  }
0x2a: {  	p0 =	seq.s32 s5, $0x0;
	s5 =	sld [smem:$0x3FB4]  }
0x2b: {  	s6 =	sld [smem:$0x3FB5]  }
0x2c: {  	s7 =	sld [smem:$0x3FB6]  }
0x2d: {  	s3 =	simm.s32 $0x108;
	s8 =	sld [smem:$0x3FB7]  }
0x2e: {  	s3 =	simm.s32 @!p0 $0x1082;
	s9 =	sld [smem:$0x3FB8]  }
0x2f: {  	lr =	sadd.s32 s0, s3;
	s0 =	sld [smem:$0x3FAF]  }
0x30: {  	s3 =	sld [smem:$0x3FB2]  }
0x31: {  	[smem:$0x3FBB] =	sst s10  }
0x32: {  	s10 =	sld [smem:$0x3FB9];
	_ =	sdelay $0x3  }
0x33: {  	p0 =	seq.s32 s10, $0x1;
	s10 =	sld [smem:$0x3FBB];
	_ =	sdelay $0x3  }
0x34: {  	[smem:$0x3FBB] =	sst s10  }
0x35: {  	s10 =	sld [smem:$0x3FBA];
	_ =	sdelay $0x3  }
0x36: {  	p1 =	seq.s32 s10, $0x1;
	s10 =	sld [smem:$0x3FBB];
	_ =	sdelay $0x3  }
0x37: {  	[smem:$0x3FBB] =	sst s10  }
0x38: {  	s10 =	sld [smem:$0x3FBC]  }
0x39: {  	_ = 	snop;
	(pc) =	sbr.ind lr, $3  }
0x3a: {  	_ = 	snop  }
0x3b: {  	_ = 	snop  }
0x3c: {  	p2 =	seq.s32 s10, $0x1;
	s10 =	sld [smem:$0x3FBB]  }
0x3d: {  	_ =	shalt  }
0x3e: {  	_ =	shalt  }
0x3f: {  	_ =	shalt  }
0x40: {  	_ =	shalt  }
0x41: {  	_ =	shalt  }
0x42: {  	_ =	shalt  }
0x43: {  	_ =	shalt  }
0x44: {  	_ =	shalt  }
0x45: {  	_ =	shalt  }
0x46: {  	_ =	shalt  }
0x47: {  	_ =	shalt  }
0x48: {  	_ =	shalt  }
0x49: {  	_ =	shalt  }
0x4a: {  	_ =	shalt  }
0x4b: {  	_ =	shalt  }
0x4c: {  	_ =	shalt  }
0x4d: {  	_ =	shalt  }
0x4e: {  	_ =	shalt  }
0x4f: {  	_ =	shalt  }
0x50: {  	_ =	shalt  }
0x51: {  	_ =	shalt  }
0x52: {  	_ =	shalt  }
0x53: {  	_ =	shalt  }
0x54: {  	_ =	shalt  }
0x55: {  	_ =	shalt  }
0x56: {  	_ =	shalt  }
0x57: {  	_ =	shalt  }
0x58: {  	_ =	shalt  }
0x59: {  	_ =	shalt  }
0x5a: {  	_ =	shalt  }
0x5b: {  	_ =	shalt  }
0x5c: {  	_ =	shalt  }
0x5d: {  	_ =	shalt  }
0x5e: {  	_ =	shalt  }
0x5f: {  	_ =	shalt  }
0x60: {  	_ =	shalt  }
0x61: {  	_ =	shalt  }
0x62: {  	_ =	shalt  }
0x63: {  	_ =	shalt  }
0x64: {  	_ =	shalt  }
0x65: {  	_ =	shalt  }
0x66: {  	_ =	shalt  }
0x67: {  	_ =	shalt  }
0x68: {  	_ =	shalt  }
0x69: {  	_ =	shalt  }
0x6a: {  	_ =	shalt  }
0x6b: {  	_ =	shalt  }
0x6c: {  	_ =	shalt  }
0x6d: {  	_ =	shalt  }
0x6e: {  	_ =	shalt  }
0x6f: {  	_ =	shalt  }
0x70: {  	_ =	shalt  }
0x71: {  	_ =	shalt  }
0x72: {  	_ =	shalt  }
0x73: {  	_ =	shalt  }
0x74: {  	_ =	shalt  }
0x75: {  	_ =	shalt  }
0x76: {  	_ =	shalt  }
0x77: {  	_ =	shalt  }
0x78: {  	_ =	shalt  }
0x79: {  	_ =	shalt  }
0x7a: {  	_ =	shalt  }
0x7b: {  	_ =	shalt  }
0x7c: {  	_ =	shalt  }
0x7d: {  	_ =	shalt  }
0x7e: {  	_ =	shalt  }
0x7f: {  	_ =	shalt  }
0x80: {  	_ =	shalt  }
0x81: {  	_ =	shalt  }
0x82: {  	_ =	shalt  }
0x83: {  	_ =	shalt  }
0x84: {  	_ =	shalt  }
0x85: {  	_ =	shalt  }
0x86: {  	_ =	shalt  }
0x87: {  	_ =	shalt  }
.Lfunc_end0:
.L_simem_size_0:
called_computation_lowered:
.L_overlay_start_0:
0x88: {  	s2 =	sld [smem:$0x3FD9]  }
0x89: {  	s3 =	sld [smem:$0x3FFE];
	_ =	sdelay $0x1  }
0x8a: {  	s1 =	srdreg.scid  }
0x8b: {  	s0 =	sand.u32 $0x1, s1  }
0x8c: {  	s17 =	sshll.u32 s0, $0xA;
	s2 =	sadd.s32 s3, s2  }
0x8d: {  	s2 =	sadd.s32 s2, s17  }
0x8e: {  	[smem:$0x3FC7] =	sst s2  }
0x8f: {  	_ = 	snop  }
0x90: {  	s2 =	sld [smem:$0x3FD0];
	(tm) =	ssettm $0x1  }
0x91: {  	s18 =	sld [smem:$0x3FFB];
	_ =	sdelay $0x3  }
0x92: {  	_ =	strace s18  }
0x93: {  	s3 =	sld [smem:$0x3FFC];
	_ =	sdelay $0x3  }
0x94: {  	_ =	strace s3  }
0x95: {  	s3 =	sld [smem:$0x3FFD];
	_ =	sdelay $0x3  }
0x96: {  	_ =	strace s3  }
0x97: {  	_ =	strace $0x8FFFFFFF  }
0x98: {  	s19 =	sld [smem:$0x3FDB];
	_ =	sdelay $0x1  }
0x99: {  	s4 =	simm.s32 $_scs_section_size  }
0x9a: {  	s5 =	simm.s32 $_size__tile_overlayer_lowered;
	s6 =	simm.s32 $_tile_overlayer_lowered  }
0x9b: {  	s22 =	simm.s32 $0x1BFF;
	s21 =	sshll.u32 s6, $0x1;
	s3 =	sadd.s32 s4, s19  }
0x9c: {  	s7 =	simm.s32 $0x0;
	s20 =	sshll.u32 s5, $0x1;
	s5 =	sadd.s32 s21, s3  }
0x9d: {  	[timem:s7], [sflag:s22] =	dma.local [hbm:s5], s20  }
0x9e: {  	_ =	swait.ge [sflag:s22], s20  }
0x9f: {  	s4 =	ssub.s32 $0x0, s20;
	[sflag:s22] =	ssyncset.done $0x0  }
0xa0: {  	[sflag:s22] =	ssyncadd.s32 s4;
	_ =	sdelay $0x1  }
0xa1: {  	s23 =	simm.s32 $0x1B8B  }
0xa2: {  	_ =	swait.ge [sflag:s23], $0x1  }
0xa3: {  	[sflag:s23] =	ssyncset.done $0x0  }
0xa4: {  	s25 =	simm.s32 $0x1B8E;
	s24 =	sld [smem:$0x3FFE];
	[sflag:s23] =	ssyncadd.s32 $0xFFFFFFFF  }
0xa5: {  	s26 =	simm.s32 $execute0_lowered;
	[smem:$0x3FD2] =	sst s25  }
0xa6: {  	s5 =	sshll.u32 s26, $0x1;
	_ =	strace $0x80000046;
	[dreg:$0x1] =	wrdreg $0xFFFFFFFF  }
0xa7: {  	s28 =	simm.s32 $_size_execute0_lowered;
	s3 =	sadd.s32 s3, s5;
	[dreg:$0x0] =	wrdreg $0x0  }
0xa8: {  	s5 =	sshll.u32 s28, $0x1;
	[dreg:$0x2] =	wrdreg s3  }
0xa9: {  	[dreg:$0x3] =	wrdreg s5  }
0xaa: {  	[dreg:$0x4] =	wrdreg $0xC0  }
0xab: {  	_ =	task [dreg:s7], $0x5FFFF  }
0xac: {  	[dreg:$0x1] =	wrdreg $0xFFFFFFFF  }
0xad: {  	[dreg:$0x0] =	wrdreg $0x60  }
0xae: {  	[dreg:$0x2] =	wrdreg s24  }
0xaf: {  	[dreg:$0x3] =	wrdreg s2  }
0xb0: {  	[dreg:$0x4] =	wrdreg $0x9  }
0xb1: {  	_ =	task.clear_ibuf [dreg:s7], $0x5FFFF;
	_ =	strace $0x90000046  }
0xb2: {  	s29 =	simm.s32 $0x9;
	_ =	strace $0x80000048  }
0xb3: {  	_ =	swait.ge [sflag:s29], $0x1  }
0xb4: {  	[sflag:s29] =	ssyncadd.s32 $0xFFFFFFFF  }
0xb5: {  	_ =	strace $0x90000048  }
0xb6: {  	_ =	sfence  }
0xb7: {  	s30 =	sld [smem:$0x0];
	_ =	sdelay $0x2  }
0xb8: {  	s31 =	sshll.u32 s1, $0xD;
	s1 =	sshrl.u32 s1, $0x2  }
0xb9: {  	s3 =	sand.u32 $0x4000, s31;
	s1 =	sadd.s32 s1, s30  }
0xba: {  	s0 =	sor.u32 s3, s0;
	s1 =	sshll.u32 s1, $0x11  }
0xbb: {  	s0 =	sor.u32 s1, s0  }
0xbc: {  	s0 =	sadd.s32 $0x8F2B, s0  }
0xbd: {  	[sflag:s0] =	ssyncadd.remote.s32 $0x1  }
0xbe: {  	_ =	sfence.sel $0xFFFF  }
0xbf: {  	[dreg:$0x0] =	wrdreg $0xFFFFFFFF;
	(pc) =	sbr.abs _section_cstart, $3  }
0xc0: {  	[dreg:$0x1] =	wrdreg $0xFFFFFFFF  }
0xc1: {  	_ =	task.clear_ibuf [dreg:s7], $0x2FFFF;
	_ =	strace $0x9FFFFFFF  }
0xc2: {  	(tm) =	ssettm $0x7FFFFFFF  }
0xc3: {  	_ =	shalt  }
tec
execute0_lowered:
.L_overlay_start_1:
0x0: {  	(tag) =	ssettag $0x1  }
0x1: {  	s0 =	stileid.u32;
	s2 =	srdreg.scid  }
0x2: {  	s9 =	rddreg [dreg:$0x0];
	s13 =	simm.s32 $0x1;
	s1 =	smul.u32 $0x2B, s0  }
0x3: {  	s2 =	sand.u32 $0x1, s2;
	s5 =	sshll.u32 s0, $0x1;
	s26 =	sadd.s32 $0x200, s9  }
0x4: {  	s6 =	sor.u32 s2, s5;
	s2 =	ssub.s32 $0x2, s2;
	s4 =	sshrl.u32 s1, $0x8  }
0x5: {  	s5 =	sadd.s32 $0x4, s5;
	s7 =	sor.u32 $0x20, s6;
	s1 =	smul.u32 $0xFFFFFFF4, s4  }
0x6: {  	s12 =	sand.u32 $0x3, s6;
	s5 =	sshrl.u32 s5, $0x2;
	s8 =	smul.u32 $0x2B, s7  }
0x7: {  	s14 =	sshrl.u32 s2, $0x1;
	p1 =	sne.s32 s12, $0x0;
	s5 =	smul.u32 $0x2A40, s5  }
0x8: {  	s14 =	ssub.s32 s2, s14;
	s2 =	rddreg [dreg:$0x2];
	s28 =	smul.u32 $0xA90, s12  }
0x9: {  	s4 =	sshll.u32 s4, $0xF;
	s12 =	simm.s32 $0x0;
	s3 =	sadd.s32 s6, s1  }
0xa: {  	s8 =	sshrl.u32 s8, $0x9;
	s6 =	sshll.u32 s6, $0x1;
	s5 =	sadd.s32 s28, s5  }
0xb: {  	s1 =	sshll.u32 s3, $0x18;
	s11 =	smul.u32 $0xFFFFFFF4, s8;
	p0 =	slt.s32 s3, $0x1  }
0xc: {  	s25 =	sadd.s32 s6, s9;
	s8 =	sshll.u32 s8, $0xF;
	s5 =	sshrl.u32 s5, $0x3  }
0xd: {  	s9 =	smax.u32 s14, $0x1;
	s1 =	sshra.s32 s1, $0x1F;
	p0 =	por !p0, !p1  }
0xe: {  	s31 =	sadd.s32 s26, s5;
	s10 =	sand.u32 $0x3, s1;
	s7 =	sadd.s32 s7, s11  }
0xf: {  	p0 =	por !p0, !p0;
	s10 =	sadd.s32 s10, s3;
	s11 =	sshll.u32 s7, $0x18  }
0x10: {  	s13 =	simm.s32 @!p0 $0x0;
	p6 =	slt.s32 s7, $0x1;
	s11 =	sshra.s32 s11, $0x1F  }
0x11: {  	s10 =	sshll.u32 s10, $0x18;
	p0 =	por !p1, !p6;
	s11 =	sand.u32 $0x3, s11  }
0x12: {  	s10 =	sshra.s32 s10, $0x1A;
	p0 =	por !p0, !p0;
	s11 =	sadd.s32 s11, s7  }
0x13: {  	s10 =	ssub.s32 s10, s13;
	s13 =	simm.s32 $0x1;
	s11 =	sshll.u32 s11, $0x18  }
0x14: {  	s13 =	simm.s32 @!p0 $0x0;
	s15 =	sshll.u32 s10, $0x2;
	s11 =	sshra.s32 s11, $0x1A  }
0x15: {  	s10 =	smul.u32 $0x2A40, s10;
	s23 =	ssub.s32 s3, s15;
	s11 =	ssub.s32 s11, s13  }
0x16: {  	s1 =	rddreg [dreg:$0x1];
	s13 =	smul.u32 $0xA90, s23;
	s24 =	sshll.u32 s11, $0x2  }
0x17: {  	s3 =	simm.s32 $0x0;
	s11 =	smul.u32 $0x2A40, s11;
	s7 =	ssub.s32 s7, s24  }
0x18: {  	p0 =	sgt.u32 s0, $0x3;
	[smem:$0x7FF] =	sst s3;
	s7 =	smul.u32 $0xA90, s7  }
.Ltmp0:
0x19: {  	s10 =	sadd.s32 s4, s10;
	s4 =	simm.s32 $0x1;
	(pc) =	sbr.rel .LBB2_1-.Ltmp0, $4  }
0x1a: {  	_ =	strace $0x80000047;
	s29 =	sadd.s32 s13, s10;
	s8 =	sadd.s32 s8, s11  }
0x1b: {  	s10 =	simm.s32 $0xB80;
	s30 =	sshrl.u32 s29, $0x3;
	s7 =	sadd.s32 s7, s8  }
0x1c: {  	s11 =	simm.s32 $0xB00;
	s5 =	sadd.s32 s26, s30;
	s7 =	sshrl.u32 s7, $0x3  }
0x1d: {  	s8 =	sadd.s32 $0x6200, s25;
	s6 =	sadd.s32 s26, s7;
	s7 =	sadd.s32 $0x5000, s31  }
.LBB2_8:
0x1e: {  	v20 =	vmul.f32 $1.442695020e+00, v20;
	v15 =	vsub.f32 $0.0e+00, v15;
	_ =	sdelay $0x1  }
0x1f: {  	(erf) = vpow2.f32 v20;
	v15 =	vmul.f32 $1.442695020e+00, v15;
	_ =	sdelay $0x1  }
0x20: {  	(erf) = vpow2.f32 v15;
	_ =	sdelay $0x3  }
0x21: {  	v23 =	vmul.f32 v19, v11;
	v24 =	vpop (erf)  }
0x22: {  	v16 =	vadd.f32 $-5.262485150e-02, v16;
	v17 =	vadd.f32 $-2.228362560e-01, v17;
	v25 =	vmul.f32 $1.011908330e-02, v24  }
0x23: {  	v10 =	vmul.f32 v18, v10;
	v13 =	vadd.f32 v13, v14;
	v15 =	vadd.f32 $-4.992065730e-01, v23  }
0x24: {  	v7 =	vmax.f32 v7, $0.0e+00;
	v26 =	vmul.f32 v16, v9;
	v27 =	vadd.f32 $-5.262485150e-02, v25;
	v28 =	vpop (erf)  }
0x25: {  	v3 =	vmax.f32 v3, $0.0e+00;
	v15 =	vmul.f32 v15, v11;
	v29 =	vmul.f32 $1.011908330e-02, v28  }
0x26: {  	v17 =	vmul.f32 v17, v8;
	v30 =	vadd.f32 $1.307650360e-01, v26;
	v31 =	vmul.f32 v27, v24;
	v32 =	vpop (erf)  }
0x27: {  	v15 =	vadd.f32 $9.999575010e-01, v15;
	v34 =	vadd.f32 $-5.262485150e-02, v29;
	v35 =	vmul.f32 $1.011908330e-02, v32  }
0x28: {  	v12 =	vadd.f32 v13, v12;
	v13 =	vmul.f32 v30, v9;
	v14 =	vadd.f32 $1.307650360e-01, v31  }
0x29: {  	v33 =	vmul.f32 v15, v11;
	v15 =	vmul.f32 v34, v28;
	v20 =	vadd.f32 $-5.262485150e-02, v35  }
0x2a: {  	v17 =	vadd.f32 $3.269731100e-01, v17;
	v13 =	vadd.f32 $-2.228362560e-01, v13;
	v14 =	vmul.f32 v14, v24  }
0x2b: {  	v10 =	vadd.f32 $5.621959080e-07, v10;
	v15 =	vadd.f32 $1.307650360e-01, v15;
	v20 =	vmul.f32 v20, v32  }
0x2c: {  	v17 =	vmul.f32 v17, v8;
	v36 =	vmul.f32 v13, v9;
	v37 =	vadd.f32 $-2.228362560e-01, v14  }
0x2d: {  	v7 =	vadd.f32 v10, v7;
	v15 =	vmul.f32 v15, v28;
	v39 =	vadd.f32 $1.307650360e-01, v20  }
0x2e: {  	v38 =	vadd.f32 $-4.992065730e-01, v17;
	v10 =	vadd.f32 $3.269731100e-01, v36;
	v13 =	vmul.f32 v37, v24  }
0x2f: {  	v2 =	vmax.f32 v2, $0.0e+00;
	v15 =	vadd.f32 $-2.228362560e-01, v15;
	v17 =	vmul.f32 v39, v32  }
0x30: {  	v14 =	vmul.f32 v38, v8;
	v10 =	vmul.f32 v10, v9;
	v40 =	vadd.f32 $3.269731100e-01, v13  }
0x31: {  	v7 =	vadd.f32 v7, v12;
	v42 =	vmul.f32 v15, v28;
	v43 =	vadd.f32 $-2.228362560e-01, v17  }
0x32: {  	v41 =	vadd.f32 $9.999575010e-01, v14;
	v10 =	vadd.f32 $-4.992065730e-01, v10;
	v12 =	vmul.f32 v40, v24  }
0x33: {  	v11 =	vadd.f32 $5.621959080e-07, v33;
	v45 =	vadd.f32 $3.269731100e-01, v42;
	v46 =	vmul.f32 v43, v32  }
0x34: {  	v44 =	vmul.f32 v41, v8;
	v10 =	vmul.f32 v10, v9;
	v47 =	vadd.f32 $-4.992065730e-01, v12  }
0x35: {  	v3 =	vadd.f32 v11, v3;
	v48 =	vmul.f32 v45, v28;
	v49 =	vadd.f32 $3.269731100e-01, v46  }
0x36: {  	v8 =	vadd.f32 $5.621959080e-07, v44;
	v50 =	vadd.f32 $9.999575010e-01, v10;
	v51 =	vmul.f32 v47, v24  }
0x37: {  	v3 =	vadd.f32 v3, v7;
	v52 =	vadd.f32 $-4.992065730e-01, v48;
	v53 =	vmul.f32 v49, v32  }
0x38: {  	v2 =	vadd.f32 v8, v2;
	v7 =	vmul.f32 v50, v9;
	v54 =	vadd.f32 $9.999575010e-01, v51  }
0x39: {  	v55 =	vmul.f32 v52, v28;
	v56 =	vadd.f32 $-4.992065730e-01, v53  }
0x3a: {  	v2 =	vadd.f32 v2, v3;
	v7 =	vadd.f32 $5.621959080e-07, v7;
	v3 =	vmul.f32 v54, v24  }
0x3b: {  	v1 =	vmax.f32 v1, $0.0e+00;
	v57 =	vadd.f32 $9.999575010e-01, v55;
	v58 =	vmul.f32 v56, v32  }
0x3c: {  	v1 =	vadd.f32 v7, v1;
	v3 =	vadd.f32 $5.621959080e-07, v3  }
0x3d: {  	v4 =	vmax.f32 v4, $0.0e+00;
	v59 =	vmul.f32 v57, v28;
	v60 =	vadd.f32 $9.999575010e-01, v58  }
0x3e: {  	v1 =	vadd.f32 v1, v2;
	v2 =	vadd.f32 v3, v4  }
0x3f: {  	v3 =	vadd.f32 $5.621959080e-07, v59;
	v61 =	vmul.f32 v60, v32  }
0x40: {  	v1 =	vadd.f32 v2, v1;
	v2 =	vmax.f32 v5, $0.0e+00  }
0x41: {  	v2 =	vadd.f32 v3, v2;
	v3 =	vadd.f32 $5.621959080e-07, v61  }
0x42: {  	v62 =	vmax.f32 v6, $0.0e+00;
	v63 =	vld [tilespmem:$0xB00]  }
0x43: {  	v1 =	vadd.f32 v2, v1;
	v2 =	vadd.f32 v3, v62;
	_ =	sdelay $0x1  }
0x44: {  	v1 =	vadd.f32 v2, v1;
	_ =	sdelay $0x1  }
0x45: {  	v1 =	vadd.f32 v63, v1  }
.LBB2_9:
0x46: {  	v0 =	vbroadcast v0, $0x0;
	_ =	sdelay $0x1  }
0x47: {  	s12 =	sadd.s32 $0x1, s12;
	v0 =	vmul.f32 v1, v0  }
0x48: {  	p1 =	sne.s32 s12, s9  }
.Ltmp1:
0x49: {  	[tilespmem:$0xB00] =	vst v0;
	(pc) =	sbr.rel @!p1 .LBB2_10-.Ltmp1, $4  }
0x4a: {  	[hbm4b:s8+s3] =	stream.linear.scatter [tilespmem:s11], [sflag:$0x1], $0x10, $0x38;
	[tilespmem:$0xC00] =	vst v63  }
0x4b: {  	_ =	swait.ge [sflag:s4], $0x10  }
0x4c: {  	[sflag:s4] =	ssyncset.done $0x0  }
0x4d: {  	[sflag:s4] =	ssyncadd.s32 $0xFFFFFFF0  }
.LBB2_1:
0x4e: {  	[tilespmem:s10], [sflag:$0x1] =	stream.linear.gather [hbm4b:s1+s3], $0x1, $0x38;
	[tilespmem:$0xC00] =	vst v63  }
0x4f: {  	_ =	swait.ge [sflag:s4], $0x1  }
0x50: {  	[sflag:s4] =	ssyncset.done $0x0  }
0x51: {  	v7 =	vimm.f32 $0.0e+00;
	[sflag:s4] =	ssyncadd.s32 $0xFFFFFFFF  }
0x52: {  	[tilespmem:$0xB00] =	vst v7  }
0x53: {  	v0 =	vld [tilespmem:$0xB80];
	[tilespmem:s3], [sflag:$0x1] =	stream.linear.gather [hbm4b:s5+s3], $0xA90, $0x38  }
0x54: {  	_ =	swait.ge [sflag:s4], $0xA90  }
0x55: {  	[sflag:s4] =	ssyncset.done $0x0  }
0x56: {  	s13 =	simm.s32 $0x0;
	[sflag:s4] =	ssyncadd.s32 $0xFFFFF570  }
0x57: {  	v14 =	vld [tilespmem:s13+$0x0];
	_ =	sdelay $0x4  }
0x58: {  	v1 =	vand.u32 $0x7FFFFFFF, v14  }
0x59: {  	s24 =	simm.s32 $0x10;
	v1 =	vsub.f32 $0.0e+00, v1  }
0x5a: {  	v8 =	vld [tilespmem:s24+$0x0]  }
0x5b: {  	v1 =	vmul.f32 $1.442695020e+00, v1;
	_ =	sdelay $0x1  }
0x5c: {  	(erf) = vpow2.f32 v1;
	_ =	sdelay $0x1  }
0x5d: {  	v1 =	vand.u32 $0x7FFFFFFF, v8  }
0x5e: {  	s25 =	simm.s32 $0x20;
	v1 =	vsub.f32 $0.0e+00, v1  }
0x5f: {  	v3 =	vld [tilespmem:s25+$0x0]  }
0x60: {  	v1 =	vmul.f32 $1.442695020e+00, v1;
	_ =	sdelay $0x1  }
0x61: {  	(erf) = vpow2.f32 v1;
	_ =	sdelay $0x1  }
0x62: {  	v1 =	vand.u32 $0x7FFFFFFF, v3;
	v10 =	vpop (erf)  }
0x63: {  	s26 =	simm.s32 $0x30;
	v1 =	vsub.f32 $0.0e+00, v1;
	v4 =	vmul.f32 $1.011908330e-02, v10  }
0x64: {  	v2 =	vld [tilespmem:s26+$0x0]  }
0x65: {  	v1 =	vmul.f32 $1.442695020e+00, v1;
	v4 =	vadd.f32 $-5.262485150e-02, v4;
	_ =	sdelay $0x1  }
0x66: {  	(erf) = vpow2.f32 v1;
	v1 =	vmul.f32 v4, v10;
	_ =	sdelay $0x1  }
0x67: {  	v4 =	vand.u32 $0x7FFFFFFF, v2;
	v11 =	vpop (erf);
	v5 =	vadd.f32 $1.307650360e-01, v1  }
0x68: {  	s28 =	simm.s32 $0x40;
	v4 =	vsub.f32 $0.0e+00, v4;
	v6 =	vmul.f32 $1.011908330e-02, v11  }
0x69: {  	v1 =	vld [tilespmem:s28+$0x0];
	v5 =	vmul.f32 v5, v10  }
0x6a: {  	v4 =	vmul.f32 $1.442695020e+00, v4;
	v6 =	vadd.f32 $-5.262485150e-02, v6  }
0x6b: {  	v5 =	vadd.f32 $-2.228362560e-01, v5  }
0x6c: {  	(erf) = vpow2.f32 v4;
	v4 =	vmul.f32 v6, v11  }
0x6d: {  	v5 =	vmul.f32 v5, v10  }
0x6e: {  	v6 =	vand.u32 $0x7FFFFFFF, v1;
	v4 =	vadd.f32 $1.307650360e-01, v4  }
0x6f: {  	v12 =	vpop (erf);
	v6 =	vsub.f32 $0.0e+00, v6;
	v5 =	vadd.f32 $3.269731100e-01, v5  }
0x70: {  	s29 =	simm.s32 $0x50;
	v9 =	vmul.f32 $1.011908330e-02, v12;
	v13 =	vmul.f32 v4, v11  }
0x71: {  	v4 =	vld [tilespmem:s29+$0x0];
	v6 =	vmul.f32 $1.442695020e+00, v6;
	v5 =	vmul.f32 v5, v10  }
0x72: {  	v9 =	vadd.f32 $-5.262485150e-02, v9;
	v13 =	vadd.f32 $-2.228362560e-01, v13  }
0x73: {  	(erf) = vpow2.f32 v6;
	v15 =	vadd.f32 $-4.992065730e-01, v5  }
0x74: {  	v6 =	vmul.f32 v9, v12;
	v13 =	vmul.f32 v13, v11  }
0x75: {  	v15 =	vmul.f32 v15, v10  }
0x76: {  	s30 =	simm.s32 $0x60;
	v9 =	vpop (erf);
	v6 =	vadd.f32 $1.307650360e-01, v6;
	v16 =	vand.u32 $0x7FFFFFFF, v4;
	v13 =	vadd.f32 $3.269731100e-01, v13  }
0x77: {  	v5 =	vld [tilespmem:s30+$0x0];
	v17 =	vmul.f32 $1.011908330e-02, v9;
	v16 =	vsub.f32 $0.0e+00, v16;
	v15 =	vadd.f32 $9.999575010e-01, v15  }
0x78: {  	v18 =	vmul.f32 v6, v12;
	v13 =	vmul.f32 v13, v11  }
0x79: {  	s31 =	simm.s32 $0x70;
	v17 =	vadd.f32 $-5.262485150e-02, v17;
	v16 =	vmul.f32 $1.442695020e+00, v16;
	v10 =	vmul.f32 v15, v10  }
0x7a: {  	v6 =	vld [tilespmem:s31+$0x0];
	v18 =	vadd.f32 $-2.228362560e-01, v18  }
0x7b: {  	v17 =	vmul.f32 v17, v9;
	v19 =	vadd.f32 $-4.992065730e-01, v13;
	(erf) = vpow2.f32 v16  }
0x7c: {  	v14 =	vmax.f32 v14, $0.0e+00;
	v15 =	vand.u32 $0x7FFFFFFF, v5;
	v18 =	vmul.f32 v18, v12  }
0x7d: {  	v17 =	vadd.f32 $1.307650360e-01, v17;
	v21 =	vmul.f32 v19, v11;
	v13 =	vadd.f32 $5.621959080e-07, v10;
	v10 =	vpop (erf)  }
0x7e: {  	v20 =	vsub.f32 $0.0e+00, v15;
	v19 =	vadd.f32 $3.269731100e-01, v18;
	v16 =	vmul.f32 $1.011908330e-02, v10  }
0x7f: {  	s13 =	simm.s32 $0x200;
	v15 =	vand.u32 $0x7FFFFFFF, v6;
	v17 =	vmul.f32 v17, v9;
	v18 =	vadd.f32 $9.999575010e-01, v21  }
.LBB2_2:
0x80: {  	s14 =	sshra.s32 s13, $0x2;
	p1 =	sne.s32 s13, $0x2A00;
	s13 =	sadd.s32 $0x40, s13;
	v20 =	vmul.f32 $1.442695020e+00, v20;
	v16 =	vadd.f32 $-5.262485150e-02, v16;
	v19 =	vmul.f32 v19, v12;
	v21 =	vmovc v4;
	v4 =	vmovc v5  }
0x81: {  	v14 =	vadd.f32 v13, v14;
	v5 =	vmovc v6;
	v17 =	vadd.f32 $-2.228362560e-01, v17;
	v18 =	vmul.f32 v18, v11;
	v6 =	vld [tilespmem:s14+$0x0];
	v11 =	vmovc v12  }
.Ltmp2:
0x82: {  	v12 =	vmovc v9;
	v9 =	vmovc v10;
	(erf) = vpow2.f32 v20;
	v16 =	vmul.f32 v16, v10;
	v19 =	vadd.f32 $-4.992065730e-01, v19;
	(pc) =	sbr.rel @p1 .LBB2_2-.Ltmp2, $4  }
0x83: {  	v7 =	vadd.f32 v14, v7;
	v17 =	vmul.f32 v17, v12;
	v13 =	vadd.f32 $5.621959080e-07, v18  }
0x84: {  	v14 =	vmax.f32 v8, $0.0e+00;
	v10 =	vpop (erf);
	v18 =	vadd.f32 $1.307650360e-01, v16;
	v22 =	vmul.f32 v19, v11  }
0x85: {  	v20 =	vsub.f32 $0.0e+00, v15;
	v8 =	vmovc v3;
	v3 =	vmovc v2;
	v16 =	vmul.f32 $1.011908330e-02, v10;
	v19 =	vadd.f32 $3.269731100e-01, v17  }
0x86: {  	v2 =	vmovc v1;
	v1 =	vmovc v21;
	v15 =	vand.u32 $0x7FFFFFFF, v6;
	v17 =	vmul.f32 v18, v9;
	v18 =	vadd.f32 $9.999575010e-01, v22  }
0x87: {  	v20 =	vmul.f32 $1.442695020e+00, v20;
	v15 =	vsub.f32 $0.0e+00, v15;
	_ =	sdelay $0x1  }
0x88: {  	(erf) = vpow2.f32 v20;
	v15 =	vmul.f32 $1.442695020e+00, v15;
	_ =	sdelay $0x1  }
0x89: {  	(erf) = vpow2.f32 v15;
	_ =	sdelay $0x1  }
0x8a: {  	v15 =	vmul.f32 v19, v12;
	v19 =	vpop (erf)  }
0x8b: {  	v16 =	vadd.f32 $-5.262485150e-02, v16;
	v20 =	vmul.f32 $1.011908330e-02, v19  }
0x8c: {  	v15 =	vadd.f32 $-4.992065730e-01, v15  }
0x8d: {  	v13 =	vadd.f32 v13, v14;
	v14 =	vmul.f32 v16, v10;
	v16 =	vadd.f32 $-5.262485150e-02, v20  }
0x8e: {  	v15 =	vmul.f32 v15, v12  }
0x8f: {  	v8 =	vmax.f32 v8, $0.0e+00;
	v17 =	vadd.f32 $-2.228362560e-01, v17;
	v11 =	vmul.f32 v18, v11;
	v18 =	vpop (erf)  }
0x90: {  	v7 =	vadd.f32 v13, v7;
	v15 =	vadd.f32 $9.999575010e-01, v15;
	v20 =	vmul.f32 $1.011908330e-02, v18  }
0x91: {  	v17 =	vmul.f32 v17, v9;
	v13 =	vadd.f32 $1.307650360e-01, v14;
	v14 =	vmul.f32 v16, v19;
	v16 =	vpop (erf)  }
0x92: {  	v12 =	vmul.f32 v15, v12;
	v15 =	vadd.f32 $-5.262485150e-02, v20;
	v20 =	vmul.f32 $1.011908330e-02, v16  }
0x93: {  	v3 =	vmax.f32 v3, $0.0e+00;
	v13 =	vmul.f32 v13, v10;
	v14 =	vadd.f32 $1.307650360e-01, v14  }
0x94: {  	v17 =	vadd.f32 $3.269731100e-01, v17;
	v15 =	vmul.f32 v15, v18;
	v20 =	vadd.f32 $-5.262485150e-02, v20  }
0x95: {  	v11 =	vadd.f32 $5.621959080e-07, v11;
	v13 =	vadd.f32 $-2.228362560e-01, v13;
	v14 =	vmul.f32 v14, v19  }
0x96: {  	v17 =	vmul.f32 v17, v9;
	v15 =	vadd.f32 $1.307650360e-01, v15;
	v20 =	vmul.f32 v20, v16  }
0x97: {  	v8 =	vadd.f32 v11, v8;
	v11 =	vmul.f32 v13, v10;
	v13 =	vadd.f32 $-2.228362560e-01, v14  }
0x98: {  	v14 =	vadd.f32 $-4.992065730e-01, v17;
	v15 =	vmul.f32 v15, v18;
	v17 =	vadd.f32 $1.307650360e-01, v20  }
0x99: {  	v7 =	vadd.f32 v8, v7;
	v11 =	vadd.f32 $3.269731100e-01, v11;
	v13 =	vmul.f32 v13, v19  }
0x9a: {  	v14 =	vmul.f32 v14, v9;
	v15 =	vadd.f32 $-2.228362560e-01, v15;
	v17 =	vmul.f32 v17, v16  }
0x9b: {  	v12 =	vadd.f32 $5.621959080e-07, v12;
	v8 =	vmul.f32 v11, v10;
	v11 =	vadd.f32 $3.269731100e-01, v13  }
0x9c: {  	v13 =	vadd.f32 $9.999575010e-01, v14;
	v14 =	vmul.f32 v15, v18;
	v15 =	vadd.f32 $-2.228362560e-01, v17  }
0x9d: {  	v8 =	vadd.f32 $-4.992065730e-01, v8;
	v3 =	vadd.f32 v12, v3;
	v11 =	vmul.f32 v11, v19  }
0x9e: {  	v9 =	vmul.f32 v13, v9;
	v13 =	vadd.f32 $3.269731100e-01, v14;
	v14 =	vmul.f32 v15, v16  }
0x9f: {  	v8 =	vmul.f32 v8, v10;
	v11 =	vadd.f32 $-4.992065730e-01, v11  }
0xa0: {  	v3 =	vadd.f32 v3, v7;
	v12 =	vmul.f32 v13, v18;
	v13 =	vadd.f32 $3.269731100e-01, v14  }
0xa1: {  	v7 =	vadd.f32 $9.999575010e-01, v8;
	v9 =	vadd.f32 $5.621959080e-07, v9;
	v8 =	vmul.f32 v11, v19  }
0xa2: {  	v2 =	vmax.f32 v2, $0.0e+00;
	v11 =	vadd.f32 $-4.992065730e-01, v12;
	v12 =	vmul.f32 v13, v16  }
0xa3: {  	v7 =	vmul.f32 v7, v10;
	v2 =	vadd.f32 v9, v2;
	v8 =	vadd.f32 $9.999575010e-01, v8  }
0xa4: {  	v9 =	vmul.f32 v11, v18;
	v10 =	vadd.f32 $-4.992065730e-01, v12  }
0xa5: {  	v7 =	vadd.f32 $5.621959080e-07, v7;
	v2 =	vadd.f32 v2, v3;
	v3 =	vmul.f32 v8, v19  }
0xa6: {  	v1 =	vmax.f32 v1, $0.0e+00;
	v8 =	vadd.f32 $9.999575010e-01, v9;
	v9 =	vmul.f32 v10, v16  }
0xa7: {  	v1 =	vadd.f32 v7, v1;
	v3 =	vadd.f32 $5.621959080e-07, v3  }
0xa8: {  	v4 =	vmax.f32 v4, $0.0e+00;
	v7 =	vmul.f32 v8, v18;
	v8 =	vadd.f32 $9.999575010e-01, v9  }
0xa9: {  	v1 =	vadd.f32 v1, v2;
	v2 =	vadd.f32 v3, v4  }
0xaa: {  	v3 =	vadd.f32 $5.621959080e-07, v7;
	v4 =	vmul.f32 v8, v16  }
0xab: {  	v1 =	vadd.f32 v2, v1;
	v2 =	vmax.f32 v5, $0.0e+00  }
0xac: {  	v2 =	vadd.f32 v3, v2;
	v3 =	vadd.f32 $5.621959080e-07, v4  }
0xad: {  	v5 =	vld [tilespmem:$0xB00];
	v4 =	vmax.f32 v6, $0.0e+00  }
0xae: {  	v1 =	vadd.f32 v2, v1;
	v2 =	vadd.f32 v3, v4;
	_ =	sdelay $0x1  }
0xaf: {  	v1 =	vadd.f32 v2, v1;
	_ =	sdelay $0x1  }
0xb0: {  	v1 =	vadd.f32 v5, v1;
	_ =	sdelay $0x1  }
0xb1: {  	s13 =	simm.s32 $0x0;
	[tilespmem:$0xB00] =	vst v1  }
0xb2: {  	[tilespmem:s13], [sflag:$0x1] =	stream.linear.gather [hbm4b:s6+s13], $0xA90, $0x38;
	[tilespmem:$0xC00] =	vst v63  }
0xb3: {  	_ =	swait.ge [sflag:s4], $0xA90  }
0xb4: {  	[sflag:s4] =	ssyncset.done $0x0  }
0xb5: {  	s23 =	simm.s32 $0x0;
	[sflag:s4] =	ssyncadd.s32 $0xFFFFF570  }
0xb6: {  	v14 =	vld [tilespmem:s23+$0x0];
	_ =	sdelay $0x4  }
0xb7: {  	v1 =	vand.u32 $0x7FFFFFFF, v14  }
0xb8: {  	s24 =	simm.s32 $0x10;
	v1 =	vsub.f32 $0.0e+00, v1  }
0xb9: {  	v7 =	vld [tilespmem:s24+$0x0]  }
0xba: {  	v1 =	vmul.f32 $1.442695020e+00, v1;
	_ =	sdelay $0x1  }
0xbb: {  	(erf) = vpow2.f32 v1;
	_ =	sdelay $0x1  }
0xbc: {  	v1 =	vand.u32 $0x7FFFFFFF, v7  }
0xbd: {  	s25 =	simm.s32 $0x20;
	v1 =	vsub.f32 $0.0e+00, v1  }
0xbe: {  	v3 =	vld [tilespmem:s25+$0x0]  }
0xbf: {  	v1 =	vmul.f32 $1.442695020e+00, v1;
	_ =	sdelay $0x1  }
0xc0: {  	(erf) = vpow2.f32 v1;
	_ =	sdelay $0x1  }
0xc1: {  	v1 =	vand.u32 $0x7FFFFFFF, v3;
	v9 =	vpop (erf)  }
0xc2: {  	s26 =	simm.s32 $0x30;
	v1 =	vsub.f32 $0.0e+00, v1;
	v4 =	vmul.f32 $1.011908330e-02, v9  }
0xc3: {  	v2 =	vld [tilespmem:s26+$0x0]  }
0xc4: {  	v1 =	vmul.f32 $1.442695020e+00, v1;
	v4 =	vadd.f32 $-5.262485150e-02, v4;
	_ =	sdelay $0x1  }
0xc5: {  	(erf) = vpow2.f32 v1;
	v1 =	vmul.f32 v4, v9;
	_ =	sdelay $0x1  }
0xc6: {  	v4 =	vand.u32 $0x7FFFFFFF, v2;
	v10 =	vpop (erf);
	v5 =	vadd.f32 $1.307650360e-01, v1  }
0xc7: {  	s28 =	simm.s32 $0x40;
	v4 =	vsub.f32 $0.0e+00, v4;
	v6 =	vmul.f32 $1.011908330e-02, v10  }
0xc8: {  	v1 =	vld [tilespmem:s28+$0x0];
	v5 =	vmul.f32 v5, v9  }
0xc9: {  	v4 =	vmul.f32 $1.442695020e+00, v4;
	v6 =	vadd.f32 $-5.262485150e-02, v6  }
0xca: {  	v5 =	vadd.f32 $-2.228362560e-01, v5  }
0xcb: {  	(erf) = vpow2.f32 v4;
	v4 =	vmul.f32 v6, v10  }
0xcc: {  	v5 =	vmul.f32 v5, v9  }
0xcd: {  	v6 =	vand.u32 $0x7FFFFFFF, v1;
	v4 =	vadd.f32 $1.307650360e-01, v4  }
0xce: {  	v11 =	vpop (erf);
	v6 =	vsub.f32 $0.0e+00, v6;
	v5 =	vadd.f32 $3.269731100e-01, v5  }
0xcf: {  	s29 =	simm.s32 $0x50;
	v8 =	vmul.f32 $1.011908330e-02, v11;
	v12 =	vmul.f32 v4, v10  }
0xd0: {  	v4 =	vld [tilespmem:s29+$0x0];
	v6 =	vmul.f32 $1.442695020e+00, v6;
	v5 =	vmul.f32 v5, v9  }
0xd1: {  	v8 =	vadd.f32 $-5.262485150e-02, v8;
	v12 =	vadd.f32 $-2.228362560e-01, v12  }
0xd2: {  	(erf) = vpow2.f32 v6;
	v13 =	vadd.f32 $-4.992065730e-01, v5  }
0xd3: {  	v6 =	vmul.f32 v8, v11;
	v12 =	vmul.f32 v12, v10  }
0xd4: {  	v13 =	vmul.f32 v13, v9  }
0xd5: {  	s30 =	simm.s32 $0x60;
	v8 =	vpop (erf);
	v6 =	vadd.f32 $1.307650360e-01, v6;
	v15 =	vand.u32 $0x7FFFFFFF, v4;
	v17 =	vadd.f32 $3.269731100e-01, v12  }
0xd6: {  	v5 =	vld [tilespmem:s30+$0x0];
	v16 =	vmul.f32 $1.011908330e-02, v8;
	v15 =	vsub.f32 $0.0e+00, v15;
	v13 =	vadd.f32 $9.999575010e-01, v13  }
0xd7: {  	v18 =	vmul.f32 v6, v11;
	v17 =	vmul.f32 v17, v10  }
0xd8: {  	s31 =	simm.s32 $0x70;
	v16 =	vadd.f32 $-5.262485150e-02, v16;
	v15 =	vmul.f32 $1.442695020e+00, v15;
	v9 =	vmul.f32 v13, v9  }
0xd9: {  	v14 =	vmax.f32 v14, $0.0e+00;
	v6 =	vld [tilespmem:s31+$0x0];
	v18 =	vadd.f32 $-2.228362560e-01, v18  }
0xda: {  	v16 =	vmul.f32 v16, v8;
	v17 =	vadd.f32 $-4.992065730e-01, v17;
	(erf) = vpow2.f32 v15  }
0xdb: {  	v12 =	vimm.f32 $0.0e+00;
	v19 =	vand.u32 $0x7FFFFFFF, v5;
	v15 =	vmul.f32 v18, v11  }
0xdc: {  	v18 =	vadd.f32 $1.307650360e-01, v16;
	v21 =	vmul.f32 v17, v10;
	v13 =	vadd.f32 $5.621959080e-07, v9;
	v9 =	vpop (erf)  }
0xdd: {  	v20 =	vsub.f32 $0.0e+00, v19;
	v19 =	vadd.f32 $3.269731100e-01, v15;
	v16 =	vmul.f32 $1.011908330e-02, v9  }
0xde: {  	s13 =	simm.s32 $0x200;
	v15 =	vand.u32 $0x7FFFFFFF, v6;
	v17 =	vmul.f32 v18, v8;
	v18 =	vadd.f32 $9.999575010e-01, v21  }
.LBB2_4:
0xdf: {  	s14 =	sshra.s32 s13, $0x2;
	p1 =	sne.s32 s13, $0x2A00;
	s13 =	sadd.s32 $0x40, s13;
	v20 =	vmul.f32 $1.442695020e+00, v20;
	v16 =	vadd.f32 $-5.262485150e-02, v16;
	v19 =	vmul.f32 v19, v11;
	v21 =	vmovc v4;
	v4 =	vmovc v5  }
0xe0: {  	v14 =	vadd.f32 v13, v14;
	v5 =	vmovc v6;
	v17 =	vadd.f32 $-2.228362560e-01, v17;
	v18 =	vmul.f32 v18, v10;
	v6 =	vld [tilespmem:s14+$0x0];
	v10 =	vmovc v11  }
.Ltmp3:
0xe1: {  	v11 =	vmovc v8;
	v8 =	vmovc v9;
	(erf) = vpow2.f32 v20;
	v16 =	vmul.f32 v16, v9;
	v19 =	vadd.f32 $-4.992065730e-01, v19;
	(pc) =	sbr.rel @p1 .LBB2_4-.Ltmp3, $4  }
0xe2: {  	v12 =	vadd.f32 v14, v12;
	v17 =	vmul.f32 v17, v11;
	v13 =	vadd.f32 $5.621959080e-07, v18  }
0xe3: {  	v14 =	vmax.f32 v7, $0.0e+00;
	v9 =	vpop (erf);
	v18 =	vadd.f32 $1.307650360e-01, v16;
	v22 =	vmul.f32 v19, v10  }
0xe4: {  	v20 =	vsub.f32 $0.0e+00, v15;
	v7 =	vmovc v3;
	v3 =	vmovc v2;
	v16 =	vmul.f32 $1.011908330e-02, v9;
	v19 =	vadd.f32 $3.269731100e-01, v17  }
0xe5: {  	v2 =	vmovc v1;
	v1 =	vmovc v21;
	v15 =	vand.u32 $0x7FFFFFFF, v6;
	v17 =	vmul.f32 v18, v8;
	v18 =	vadd.f32 $9.999575010e-01, v22  }
0xe6: {  	v20 =	vmul.f32 $1.442695020e+00, v20;
	v15 =	vsub.f32 $0.0e+00, v15;
	_ =	sdelay $0x1  }
0xe7: {  	(erf) = vpow2.f32 v20;
	v15 =	vmul.f32 $1.442695020e+00, v15;
	_ =	sdelay $0x1  }
0xe8: {  	(erf) = vpow2.f32 v15;
	_ =	sdelay $0x3  }
0xe9: {  	v23 =	vmul.f32 v19, v11;
	v24 =	vpop (erf)  }
0xea: {  	v16 =	vadd.f32 $-5.262485150e-02, v16;
	v13 =	vadd.f32 v13, v14;
	v25 =	vmul.f32 $1.011908330e-02, v24  }
0xeb: {  	v7 =	vmax.f32 v7, $0.0e+00;
	v3 =	vmax.f32 v3, $0.0e+00;
	v15 =	vadd.f32 $-4.992065730e-01, v23  }
0xec: {  	v10 =	vmul.f32 v18, v10;
	v26 =	vmul.f32 v16, v9;
	v27 =	vadd.f32 $-5.262485150e-02, v25;
	v28 =	vpop (erf)  }
0xed: {  	v17 =	vadd.f32 $-2.228362560e-01, v17;
	v15 =	vmul.f32 v15, v11;
	v29 =	vmul.f32 $1.011908330e-02, v28  }
0xee: {  	v12 =	vadd.f32 v13, v12;
	v30 =	vadd.f32 $1.307650360e-01, v26;
	v31 =	vmul.f32 v27, v24;
	v32 =	vpop (erf)  }
0xef: {  	v15 =	vadd.f32 $9.999575010e-01, v15;
	v34 =	vadd.f32 $-5.262485150e-02, v29;
	v35 =	vmul.f32 $1.011908330e-02, v32  }
0xf0: {  	v17 =	vmul.f32 v17, v8;
	v13 =	vmul.f32 v30, v9;
	v14 =	vadd.f32 $1.307650360e-01, v31  }
0xf1: {  	v33 =	vmul.f32 v15, v11;
	v15 =	vmul.f32 v34, v28;
	v20 =	vadd.f32 $-5.262485150e-02, v35  }
0xf2: {  	v17 =	vadd.f32 $3.269731100e-01, v17;
	v13 =	vadd.f32 $-2.228362560e-01, v13;
	v14 =	vmul.f32 v14, v24  }
0xf3: {  	v10 =	vadd.f32 $5.621959080e-07, v10;
	v15 =	vadd.f32 $1.307650360e-01, v15;
	v20 =	vmul.f32 v20, v32  }
0xf4: {  	v17 =	vmul.f32 v17, v8;
	v36 =	vmul.f32 v13, v9;
	v37 =	vadd.f32 $-2.228362560e-01, v14  }
0xf5: {  	v7 =	vadd.f32 v10, v7;
	v15 =	vmul.f32 v15, v28;
	v39 =	vadd.f32 $1.307650360e-01, v20  }
0xf6: {  	v38 =	vadd.f32 $-4.992065730e-01, v17;
	v10 =	vadd.f32 $3.269731100e-01, v36;
	v13 =	vmul.f32 v37, v24  }
0xf7: {  	v2 =	vmax.f32 v2, $0.0e+00;
	v15 =	vadd.f32 $-2.228362560e-01, v15;
	v17 =	vmul.f32 v39, v32  }
0xf8: {  	v10 =	vmul.f32 v10, v9;
	v14 =	vmul.f32 v38, v8;
	v40 =	vadd.f32 $3.269731100e-01, v13  }
0xf9: {  	v7 =	vadd.f32 v7, v12;
	v42 =	vmul.f32 v15, v28;
	v43 =	vadd.f32 $-2.228362560e-01, v17  }
0xfa: {  	v10 =	vadd.f32 $-4.992065730e-01, v10;
	v41 =	vadd.f32 $9.999575010e-01, v14;
	v12 =	vmul.f32 v40, v24  }
0xfb: {  	v11 =	vadd.f32 $5.621959080e-07, v33;
	v45 =	vadd.f32 $3.269731100e-01, v42;
	v46 =	vmul.f32 v43, v32  }
0xfc: {  	v10 =	vmul.f32 v10, v9;
	v44 =	vmul.f32 v41, v8;
	v47 =	vadd.f32 $-4.992065730e-01, v12  }
0xfd: {  	v3 =	vadd.f32 v11, v3;
	v48 =	vmul.f32 v45, v28;
	v49 =	vadd.f32 $3.269731100e-01, v46  }
0xfe: {  	v50 =	vadd.f32 $9.999575010e-01, v10;
	v8 =	vadd.f32 $5.621959080e-07, v44;
	v51 =	vmul.f32 v47, v24  }
0xff: {  	v3 =	vadd.f32 v3, v7;
	v52 =	vadd.f32 $-4.992065730e-01, v48;
	v53 =	vmul.f32 v49, v32  }
0x100: {  	v7 =	vmul.f32 v50, v9;
	v2 =	vadd.f32 v8, v2;
	v54 =	vadd.f32 $9.999575010e-01, v51  }
0x101: {  	v55 =	vmul.f32 v52, v28;
	v56 =	vadd.f32 $-4.992065730e-01, v53  }
0x102: {  	v7 =	vadd.f32 $5.621959080e-07, v7;
	v2 =	vadd.f32 v2, v3;
	v3 =	vmul.f32 v54, v24  }
0x103: {  	v1 =	vmax.f32 v1, $0.0e+00;
	v57 =	vadd.f32 $9.999575010e-01, v55;
	v58 =	vmul.f32 v56, v32  }
0x104: {  	v1 =	vadd.f32 v7, v1;
	v3 =	vadd.f32 $5.621959080e-07, v3  }
0x105: {  	v4 =	vmax.f32 v4, $0.0e+00;
	v59 =	vmul.f32 v57, v28;
	v60 =	vadd.f32 $9.999575010e-01, v58  }
0x106: {  	v1 =	vadd.f32 v1, v2;
	v2 =	vadd.f32 v3, v4  }
0x107: {  	v3 =	vadd.f32 $5.621959080e-07, v59;
	v61 =	vmul.f32 v60, v32  }
0x108: {  	v1 =	vadd.f32 v2, v1;
	v2 =	vmax.f32 v5, $0.0e+00  }
0x109: {  	v2 =	vadd.f32 v3, v2;
	v3 =	vadd.f32 $5.621959080e-07, v61  }
0x10a: {  	v62 =	vmax.f32 v6, $0.0e+00;
	v63 =	vld [tilespmem:$0xB00]  }
0x10b: {  	v1 =	vadd.f32 v2, v1;
	v2 =	vadd.f32 v3, v62;
	_ =	sdelay $0x1  }
.Ltmp4:
0x10c: {  	v1 =	vadd.f32 v2, v1;
	(pc) =	sbr.rel @p0 .LBB2_9-.Ltmp4, $3  }
0x10d: {  	_ = 	snop  }
0x10e: {  	v1 =	vadd.f32 v63, v1;
	_ =	sdelay $0x1  }
0x10f: {  	[tilespmem:$0xB00] =	vst v1  }
0x110: {  	s13 =	simm.s32 $0x0  }
0x111: {  	[tilespmem:s13], [sflag:$0x1] =	stream.linear.gather [hbm4b:s7+s13], $0xA90, $0x38;
	[tilespmem:$0xC00] =	vst v63  }
0x112: {  	_ =	swait.ge [sflag:s4], $0xA90  }
0x113: {  	[sflag:s4] =	ssyncset.done $0x0  }
0x114: {  	s23 =	simm.s32 $0x0;
	[sflag:s4] =	ssyncadd.s32 $0xFFFFF570  }
0x115: {  	v14 =	vld [tilespmem:s23+$0x0];
	_ =	sdelay $0x4  }
0x116: {  	v1 =	vand.u32 $0x7FFFFFFF, v14  }
0x117: {  	s24 =	simm.s32 $0x10;
	v1 =	vsub.f32 $0.0e+00, v1  }
0x118: {  	v7 =	vld [tilespmem:s24+$0x0]  }
0x119: {  	v1 =	vmul.f32 $1.442695020e+00, v1;
	_ =	sdelay $0x1  }
0x11a: {  	(erf) = vpow2.f32 v1;
	_ =	sdelay $0x1  }
0x11b: {  	v1 =	vand.u32 $0x7FFFFFFF, v7  }
0x11c: {  	s25 =	simm.s32 $0x20;
	v1 =	vsub.f32 $0.0e+00, v1  }
0x11d: {  	v3 =	vld [tilespmem:s25+$0x0]  }
0x11e: {  	v1 =	vmul.f32 $1.442695020e+00, v1;
	_ =	sdelay $0x1  }
0x11f: {  	(erf) = vpow2.f32 v1;
	_ =	sdelay $0x1  }
0x120: {  	v1 =	vand.u32 $0x7FFFFFFF, v3;
	v9 =	vpop (erf)  }
0x121: {  	s26 =	simm.s32 $0x30;
	v1 =	vsub.f32 $0.0e+00, v1;
	v4 =	vmul.f32 $1.011908330e-02, v9  }
0x122: {  	v2 =	vld [tilespmem:s26+$0x0]  }
0x123: {  	v1 =	vmul.f32 $1.442695020e+00, v1;
	v4 =	vadd.f32 $-5.262485150e-02, v4;
	_ =	sdelay $0x1  }
0x124: {  	(erf) = vpow2.f32 v1;
	v1 =	vmul.f32 v4, v9;
	_ =	sdelay $0x1  }
0x125: {  	v4 =	vand.u32 $0x7FFFFFFF, v2;
	v10 =	vpop (erf);
	v5 =	vadd.f32 $1.307650360e-01, v1  }
0x126: {  	s28 =	simm.s32 $0x40;
	v4 =	vsub.f32 $0.0e+00, v4;
	v6 =	vmul.f32 $1.011908330e-02, v10  }
0x127: {  	v1 =	vld [tilespmem:s28+$0x0];
	v5 =	vmul.f32 v5, v9  }
0x128: {  	v4 =	vmul.f32 $1.442695020e+00, v4;
	v6 =	vadd.f32 $-5.262485150e-02, v6  }
0x129: {  	v5 =	vadd.f32 $-2.228362560e-01, v5  }
0x12a: {  	(erf) = vpow2.f32 v4;
	v4 =	vmul.f32 v6, v10  }
0x12b: {  	v5 =	vmul.f32 v5, v9  }
0x12c: {  	v6 =	vand.u32 $0x7FFFFFFF, v1;
	v4 =	vadd.f32 $1.307650360e-01, v4  }
0x12d: {  	v11 =	vpop (erf);
	v6 =	vsub.f32 $0.0e+00, v6;
	v5 =	vadd.f32 $3.269731100e-01, v5  }
0x12e: {  	s29 =	simm.s32 $0x50;
	v8 =	vmul.f32 $1.011908330e-02, v11;
	v12 =	vmul.f32 v4, v10  }
0x12f: {  	v4 =	vld [tilespmem:s29+$0x0];
	v6 =	vmul.f32 $1.442695020e+00, v6;
	v5 =	vmul.f32 v5, v9  }
0x130: {  	v8 =	vadd.f32 $-5.262485150e-02, v8;
	v12 =	vadd.f32 $-2.228362560e-01, v12  }
0x131: {  	(erf) = vpow2.f32 v6;
	v13 =	vadd.f32 $-4.992065730e-01, v5  }
0x132: {  	v6 =	vmul.f32 v8, v11;
	v12 =	vmul.f32 v12, v10  }
0x133: {  	v13 =	vmul.f32 v13, v9  }
0x134: {  	s30 =	simm.s32 $0x60;
	v8 =	vpop (erf);
	v6 =	vadd.f32 $1.307650360e-01, v6;
	v15 =	vand.u32 $0x7FFFFFFF, v4;
	v17 =	vadd.f32 $3.269731100e-01, v12  }
0x135: {  	v5 =	vld [tilespmem:s30+$0x0];
	v16 =	vmul.f32 $1.011908330e-02, v8;
	v15 =	vsub.f32 $0.0e+00, v15;
	v13 =	vadd.f32 $9.999575010e-01, v13  }
0x136: {  	v18 =	vmul.f32 v6, v11;
	v17 =	vmul.f32 v17, v10  }
0x137: {  	s31 =	simm.s32 $0x70;
	v16 =	vadd.f32 $-5.262485150e-02, v16;
	v15 =	vmul.f32 $1.442695020e+00, v15;
	v9 =	vmul.f32 v13, v9  }
0x138: {  	v14 =	vmax.f32 v14, $0.0e+00;
	v6 =	vld [tilespmem:s31+$0x0];
	v18 =	vadd.f32 $-2.228362560e-01, v18  }
0x139: {  	v16 =	vmul.f32 v16, v8;
	v17 =	vadd.f32 $-4.992065730e-01, v17;
	(erf) = vpow2.f32 v15  }
0x13a: {  	v12 =	vimm.f32 $0.0e+00;
	v19 =	vand.u32 $0x7FFFFFFF, v5;
	v15 =	vmul.f32 v18, v11  }
0x13b: {  	v18 =	vadd.f32 $1.307650360e-01, v16;
	v21 =	vmul.f32 v17, v10;
	v13 =	vadd.f32 $5.621959080e-07, v9;
	v9 =	vpop (erf)  }
0x13c: {  	v20 =	vsub.f32 $0.0e+00, v19;
	v19 =	vadd.f32 $3.269731100e-01, v15;
	v16 =	vmul.f32 $1.011908330e-02, v9  }
0x13d: {  	s13 =	simm.s32 $0x200;
	v15 =	vand.u32 $0x7FFFFFFF, v6;
	v17 =	vmul.f32 v18, v8;
	v18 =	vadd.f32 $9.999575010e-01, v21  }
.LBB2_7:
0x13e: {  	s14 =	sshra.s32 s13, $0x2;
	p1 =	sne.s32 s13, $0x2A00;
	s13 =	sadd.s32 $0x40, s13;
	v20 =	vmul.f32 $1.442695020e+00, v20;
	v16 =	vadd.f32 $-5.262485150e-02, v16;
	v19 =	vmul.f32 v19, v11;
	v21 =	vmovc v4;
	v4 =	vmovc v5  }
0x13f: {  	v17 =	vadd.f32 $-2.228362560e-01, v17;
	v18 =	vmul.f32 v18, v10;
	v14 =	vadd.f32 v13, v14;
	v5 =	vmovc v6;
	v10 =	vmovc v11;
	v6 =	vld [tilespmem:s14+$0x0]  }
.Ltmp5:
0x140: {  	v11 =	vmovc v8;
	v8 =	vmovc v9;
	(erf) = vpow2.f32 v20;
	v16 =	vmul.f32 v16, v9;
	v19 =	vadd.f32 $-4.992065730e-01, v19;
	(pc) =	sbr.rel @p1 .LBB2_7-.Ltmp5, $4  }
0x141: {  	v17 =	vmul.f32 v17, v11;
	v13 =	vadd.f32 $5.621959080e-07, v18;
	v12 =	vadd.f32 v14, v12  }
0x142: {  	v14 =	vmax.f32 v7, $0.0e+00;
	v9 =	vpop (erf);
	v18 =	vadd.f32 $1.307650360e-01, v16;
	v22 =	vmul.f32 v19, v10  }
0x143: {  	v20 =	vsub.f32 $0.0e+00, v15;
	v7 =	vmovc v3;
	v3 =	vmovc v2;
	v19 =	vadd.f32 $3.269731100e-01, v17;
	v16 =	vmul.f32 $1.011908330e-02, v9  }
0x144: {  	v2 =	vmovc v1;
	v1 =	vmovc v21;
	v15 =	vand.u32 $0x7FFFFFFF, v6;
	v17 =	vmul.f32 v18, v8;
	v18 =	vadd.f32 $9.999575010e-01, v22  }
.Ltmp6:
0x145: {  	_ = 	snop;
	(pc) =	sbr.rel .LBB2_8-.Ltmp6, $1  }
0x146: {  	_ =	sdelay $0x3  }
.LBB2_10:
0x147: {  	_ =	sfence.sel $0x180000  }
0x148: {  	[bflag:$0x0] =	sbarrier.arrive $0xFFFF  }
0x149: {  	p0 =	sne.s32 s0, $0x0;
	_ =	strace $0x90000047  }
0x14a: {  	s0 =	sadd.s32 @!p0 $0x100000, s2;
	[bflag:$0x2] =	sbarrier.arrive $0xFFFF  }
0x14b: {  	[sflag:s0] =	ssyncadd.tile.s32 @!p0 $0x1;
	_ =	shalt  }
.Lfunc_end2:
_tile_overlayer_lowered:
.L_overlay_start_2:
0x14c: {  	(tag) =	ssettag $0x2  }
0x14d: {  	s0 =	rddreg [dreg:$0x0];
	s2 =	stileid.u32  }
0x14e: {  	s1 =	rddreg [dreg:$0x1];
	p0 =	sne.s32 s2, $0x0  }
0x14f: {  	s3 =	rddreg [dreg:$0x2];
	[bflag:$0x3] =	sbarrier.arrive $0xFFFF;
	s2 =	simm.s32 @!p0 $0x1C01  }
0x150: {  	[timem:s3], [sflag:s2] =	dma.local @!p0 [hbm:s0], s1  }
0x151: {  	s0 =	simm.s32 @!p0 $0x1  }
0x152: {  	_ =	swait.ge @!p0 [sflag:s0], s1  }
0x153: {  	s1 =	ssub.s32 @!p0 $0x0, s1;
	[sflag:s0] =	ssyncset.done @!p0 $0x0  }
0x154: {  	[sflag:s0] =	ssyncadd.s32 @!p0 s1  }
0x155: {  	[bflag:$0x3] =	sbarrier.arrive $0xFFFF  }
0x156: {  	_ =	shalt  }

</sc_bundles>
